<compile_context>
chip_gen: v7x
topology: tpu7x:2x2x1
jax: 0.10.2.dev20260603
libtpu: 0.0.44.dev20260713+nightly
codegen_flags: <defaults>
</compile_context>

<pallas_src>
import jax
import jax.numpy as jnp
from jax import lax
from jax.experimental import pallas as pl
from jax.experimental.pallas import tpu as pltpu
from jax.experimental.pallas import tpu_sc as plsc

B, L, V, D = 16384, 200, 128, 8
N = B * L
NC, NS = 2, 16
NW = NC * NS
PER_W = N // NW
CT = 400
SUP = 3200
NSUP = PER_W // SUP
SUBC = SUP // CT
NCHUNK = PER_W // CT
GRP = CT // 16


def _fuse_body(wte_ref, w_ref, b_ref, out_ref):
    out_ref[...] = lax.dot_general(
        wte_ref[...], w_ref[...],
        dimension_numbers=(((1,), (1,)), ((), ())),
        preferred_element_type=jnp.float32,
    ) + b_ref[...]


_fuse_table = pl.pallas_call(
    _fuse_body,
    out_shape=jax.ShapeDtypeStruct((V, D), jnp.float32),
)


def _sc_body(ft_hbm, idx_hbm, out_hbm, tbl_v, idx_v, out_v, sem_in, sem_out):
    wid = lax.axis_index("s") * NC + lax.axis_index("c")
    base = wid * PER_W

    pltpu.sync_copy(ft_hbm, tbl_v)

    pltpu.async_copy(idx_hbm.at[pl.ds(base, SUP)], idx_v.at[pl.ds(0, SUP)],
                     sem_in)

    iota16 = lax.iota(jnp.int32, 16)
    dvecs = [jnp.full((16,), d, jnp.int32) for d in range(D)]

    @pl.loop(0, NSUP)
    def _sup(s):
        isl = (s % 2) * SUP

        pltpu.make_async_copy(
            idx_hbm.at[pl.ds(base + s * SUP, SUP)],
            idx_v.at[pl.ds(isl, SUP)], sem_in).wait()

        @pl.when(s + 1 < NSUP)
        def _():
            pltpu.async_copy(
                idx_hbm.at[pl.ds(base + (s + 1) * SUP, SUP)],
                idx_v.at[pl.ds(SUP - isl, SUP)], sem_in)

        @pl.loop(0, SUBC)
        def _sub(sc):
            c = s * SUBC + sc
            slot = c % 2

            @pl.when(c >= 2)
            def _():
                pltpu.make_async_copy(
                    out_v.at[slot],
                    out_hbm.at[pl.ds(base + (c - 2) * CT, CT), :],
                    sem_out).wait()

            blk = out_v.at[slot]

            @plsc.parallel_loop(0, GRP, unroll=5)
            def _grp(g):
                xv = idx_v[pl.ds(isl + sc * CT + g * 16, 16)]
                gbase = (xv & (V - 1)) * D
                rvec = iota16 + g * 16
                for d in range(D):
                    vals = plsc.load_gather(tbl_v, [gbase + d])
                    plsc.store_scatter(blk, [rvec, dvecs[d]], vals)

            pltpu.async_copy(
                out_v.at[slot],
                out_hbm.at[pl.ds(base + c * CT, CT), :], sem_out)

    for t in (NCHUNK - 2, NCHUNK - 1):
        pltpu.make_async_copy(
            out_v.at[t % 2],
            out_hbm.at[pl.ds(base + t * CT, CT), :], sem_out).wait()


_sc_gather = pl.kernel(
    _sc_body,
    out_type=jax.ShapeDtypeStruct((N, D), jnp.float32),
    mesh=plsc.VectorSubcoreMesh(
        core_axis_name="c", subcore_axis_name="s",
        num_cores=NC, num_subcores=NS),
    compiler_params=pltpu.CompilerParams(needs_layout_passes=False),
    scratch_types=[
        pltpu.VMEM((V * D,), jnp.float32),
        pltpu.VMEM((2 * SUP,), jnp.int32),
        pltpu.VMEM((2, CT, D), jnp.float32),
        pltpu.SemaphoreType.DMA,
        pltpu.SemaphoreType.DMA,
    ],
)


@jax.jit
def kernel(x, wte, W, b):
    ft = _fuse_table(wte, W, b.reshape(1, D))
    out = _sc_gather(ft.reshape(V * D), x.reshape(N).astype(jnp.int32))
    return out.reshape(B, L, D)

# --- scband reference (transcript-rebuilt; emitter-appended) ---
"""Pipeline reference for scband-tiny-model-83399674953930 (READ-ONLY COPY).

The authoritative reference and input builder live on the scoring server;
editing this copy changes nothing except your own understanding.
"""

import jax, jax.numpy as jnp
import numpy as np

def setup_inputs(seed: int = 0) -> dict:
    key = jax.random.key(seed)
    k1, k2, k3, k4 = jax.random.split(key, 4)
    x = jax.random.randint(k1, (16384, 200), 0, 128, dtype=jnp.int64)
    wte = jax.random.normal(k2, (128, 8), dtype=jnp.float32)
    W = jax.random.normal(k3, (8, 8), dtype=jnp.float32) * (1.0 / jnp.sqrt(8.0))
    b = jax.random.normal(k4, (8,), dtype=jnp.float32) * 0.01
    return {"x": x, "wte": wte, "W": W, "b": b}

def reference(x, wte, W, b):
    emb = jnp.take(wte, x, axis=0)          # [B, L, 8] embedding lookup
    out = jnp.matmul(emb, W.T) + b           # nn.Linear(8, 8)
    return out

if __name__ == "__main__":
    import jax
    _d = setup_inputs()
    print(jax.jit(kernel)(*tuple(_d.values())))

</pallas_src>

<mosaic_0001>
#map = affine_map<(d0, d1) -> (0)>
#map1 = affine_map<(d0, d1) -> (0, 0)>
module attributes {stable_mosaic.version = 14 : i64} {
  func.func @_sc_body(%arg0: i32, %arg1: i32, %arg2: memref<1024xf32, #tpu.memory_space<hbm>>, %arg3: memref<3276800xi32, #tpu.memory_space<hbm>>, %arg4: memref<3276800x8xf32, #tpu.memory_space<hbm>>, %arg5: memref<1024xf32, #tpu.memory_space<vmem>>, %arg6: memref<6400xi32, #tpu.memory_space<vmem>>, %arg7: memref<2x400x8xf32, #tpu.memory_space<vmem>>, %arg8: memref<!tpu.dma_semaphore, #tpu.memory_space<semaphore_mem>>, %arg9: memref<!tpu.dma_semaphore, #tpu.memory_space<semaphore_mem>>) attributes {dimension_semantics = [#tpu.dimension_semantics<core_parallel>, #tpu.dimension_semantics<subcore_parallel>], iteration_bounds = array<i64: 2, 16>, scalar_prefetch = 0 : i64, scratch_operands = 5 : i64, tpu.core_type = #tpu.core_type<sc_vector_subcore>, window_params = [{transform_indices = #map}, {transform_indices = #map}, {transform_indices = #map1}]} {
    %mul3A = arith.constant 2 : i32
    %mul3A_0 = arith.muli %arg1, %mul3A : i32
    %add3A = arith.addi %mul3A_0, %arg0 : i32
    %mul3A_1 = arith.constant 102400 : i32
    %mul3A_2 = arith.muli %add3A, %mul3A_1 : i32
    "tpu.region"() ({
      %run_scoped3A = tpu.sem_alloc : memref<!tpu.dma_semaphore, #tpu.memory_space<semaphore_mem>>
      tpu.enqueue_dma source(%arg2 : memref<1024xf32, #tpu.memory_space<hbm>>) target(%arg5 : memref<1024xf32, #tpu.memory_space<vmem>>) target_semaphore(%run_scoped3A : memref<!tpu.dma_semaphore, #tpu.memory_space<semaphore_mem>>)
      tpu.wait_dma2 semaphore(%run_scoped3A : memref<!tpu.dma_semaphore, #tpu.memory_space<semaphore_mem>>) src(%arg2 : memref<1024xf32, #tpu.memory_space<hbm>>) dst(%arg5 : memref<1024xf32, #tpu.memory_space<vmem>>)
      tpu.yield
    }) : () -> ()
    %dma_start3A = arith.constant 0 : i32
    %dma_start3A_3 = tpu.memref_slice %arg6[%dma_start3A] : memref<6400xi32, #tpu.memory_space<vmem>> -> memref<3200xi32, #tpu.memory_space<vmem>>
    %dma_start3A_4 = tpu.memref_slice %arg3[%mul3A_2] : memref<3276800xi32, #tpu.memory_space<hbm>> -> memref<3200xi32, #tpu.memory_space<hbm>>
    %dma_start3A_5 = arith.constant 0 : i32
    %dma_start3A_6 = tpu.memref_slice %arg6[%dma_start3A_5] : memref<6400xi32, #tpu.memory_space<vmem>> -> memref<3200xi32, #tpu.memory_space<vmem>>
    %dma_start3A_7 = tpu.memref_slice %arg3[%mul3A_2] : memref<3276800xi32, #tpu.memory_space<hbm>> -> memref<3200xi32, #tpu.memory_space<hbm>>
    tpu.enqueue_dma source(%dma_start3A_7 : memref<3200xi32, #tpu.memory_space<hbm>>) target(%dma_start3A_6 : memref<3200xi32, #tpu.memory_space<vmem>>) target_semaphore(%arg8 : memref<!tpu.dma_semaphore, #tpu.memory_space<semaphore_mem>>)
    %iota3A = tpu.iota {dimensions = array<i32: 0>} : vector<16xi32>
    %broadcast_in_dim3A = arith.constant 0 : i32
    %broadcast_in_dim3A_8 = vector.broadcast %broadcast_in_dim3A : i32 to vector<16xi32>
    %broadcast_in_dim3A_9 = arith.constant 1 : i32
    %broadcast_in_dim3A_10 = vector.broadcast %broadcast_in_dim3A_9 : i32 to vector<16xi32>
    %broadcast_in_dim3A_11 = arith.constant 2 : i32
    %broadcast_in_dim3A_12 = vector.broadcast %broadcast_in_dim3A_11 : i32 to vector<16xi32>
    %broadcast_in_dim3A_13 = arith.constant 3 : i32
    %broadcast_in_dim3A_14 = vector.broadcast %broadcast_in_dim3A_13 : i32 to vector<16xi32>
    %broadcast_in_dim3A_15 = arith.constant 4 : i32
    %broadcast_in_dim3A_16 = vector.broadcast %broadcast_in_dim3A_15 : i32 to vector<16xi32>
    %broadcast_in_dim3A_17 = arith.constant 5 : i32
    %broadcast_in_dim3A_18 = vector.broadcast %broadcast_in_dim3A_17 : i32 to vector<16xi32>
    %broadcast_in_dim3A_19 = arith.constant 6 : i32
    %broadcast_in_dim3A_20 = vector.broadcast %broadcast_in_dim3A_19 : i32 to vector<16xi32>
    %broadcast_in_dim3A_21 = arith.constant 7 : i32
    %broadcast_in_dim3A_22 = vector.broadcast %broadcast_in_dim3A_21 : i32 to vector<16xi32>
    %scan3A = arith.constant 0 : i32
    %scan3A_23 = arith.constant 32 : i32
    %scan3A_24 = arith.addi %scan3A, %scan3A_23 : i32
    %scan3A_25 = arith.constant 1 : i32
    scf.for %scan3A_56 = %scan3A to %scan3A_24 step %scan3A_25  : i32 {
      %mul3A_57 = arith.constant 1 : i32
      %mul3A_58 = arith.muli %scan3A_56, %mul3A_57 : i32
      %add3A_59 = arith.constant 0 : i32
      %add3A_60 = arith.addi %add3A_59, %mul3A_58 : i32
      %jit3A = arith.constant 2 : i32
      %eq3A = arith.constant 0 : i32
      %eq3A_61 = arith.cmpi eq, %jit3A, %eq3A : i32
      %jit3A_62 = arith.constant 1 : i32
      %select_n3A = arith.select %eq3A_61, %jit3A_62, %jit3A : i32
      %rem3A = arith.remsi %add3A_60, %select_n3A : i32
      %ne3A = arith.constant 0 : i32
      %ne3A_63 = arith.cmpi ne, %rem3A, %ne3A : i32
      %lt3A = arith.constant 0 : i32
      %lt3A_64 = arith.cmpi slt, %rem3A, %lt3A : i32
      %lt3A_65 = arith.constant 0 : i32
      %lt3A_66 = arith.cmpi slt, %select_n3A, %lt3A_65 : i32
      %ne3A_67 = arith.xori %lt3A_64, %lt3A_66 : i1
      %and3A = arith.andi %ne3A_67, %ne3A_63 : i1
      %add3A_68 = arith.addi %rem3A, %select_n3A : i32
      %select_n3A_69 = arith.select %and3A, %add3A_68, %rem3A : i32
      %mul3A_70 = arith.constant 3200 : i32
      %mul3A_71 = arith.muli %select_n3A_69, %mul3A_70 : i32
      %mul3A_72 = arith.constant 3200 : i32
      %mul3A_73 = arith.muli %add3A_60, %mul3A_72 : i32
      %add3A_74 = arith.addi %mul3A_2, %mul3A_73 : i32
      %dma_wait3A_75 = tpu.memref_slice %arg6[%mul3A_71] : memref<6400xi32, #tpu.memory_space<vmem>> -> memref<3200xi32, #tpu.memory_space<vmem>>
      %dma_wait3A_76 = tpu.memref_slice %arg3[%add3A_74] : memref<3276800xi32, #tpu.memory_space<hbm>> -> memref<3200xi32, #tpu.memory_space<hbm>>
      %dma_wait3A_77 = tpu.memref_slice %arg6[%mul3A_71] : memref<6400xi32, #tpu.memory_space<vmem>> -> memref<3200xi32, #tpu.memory_space<vmem>>
      %dma_wait3A_78 = tpu.memref_slice %arg3[%add3A_74] : memref<3276800xi32, #tpu.memory_space<hbm>> -> memref<3200xi32, #tpu.memory_space<hbm>>
      tpu.wait_dma2 semaphore(%arg8 : memref<!tpu.dma_semaphore, #tpu.memory_space<semaphore_mem>>) src(%dma_wait3A_78 : memref<3200xi32, #tpu.memory_space<hbm>>) dst(%dma_wait3A_77 : memref<3200xi32, #tpu.memory_space<vmem>>)
      %add3A_79 = arith.constant 1 : i32
      %add3A_80 = arith.addi %add3A_60, %add3A_79 : i32
      %lt3A_81 = arith.constant 32 : i32
      %lt3A_82 = arith.cmpi slt, %add3A_80, %lt3A_81 : i32
      %convert_element_type3A = arith.extui %lt3A_82 : i1 to i32
      %cond3A = arith.constant 0 : i32
      %cond3A_83 = arith.cmpi ne, %convert_element_type3A, %cond3A : i32
      scf.if %cond3A_83 {
        %add3A_89 = arith.constant 1 : i32
        %add3A_90 = arith.addi %add3A_60, %add3A_89 : i32
        %mul3A_91 = arith.constant 3200 : i32
        %mul3A_92 = arith.muli %add3A_90, %mul3A_91 : i32
        %add3A_93 = arith.addi %mul3A_2, %mul3A_92 : i32
        %sub3A = arith.constant 3200 : i32
        %sub3A_94 = arith.subi %sub3A, %mul3A_71 : i32
        %dma_start3A_95 = tpu.memref_slice %arg6[%sub3A_94] : memref<6400xi32, #tpu.memory_space<vmem>> -> memref<3200xi32, #tpu.memory_space<vmem>>
        %dma_start3A_96 = tpu.memref_slice %arg3[%add3A_93] : memref<3276800xi32, #tpu.memory_space<hbm>> -> memref<3200xi32, #tpu.memory_space<hbm>>
        %dma_start3A_97 = tpu.memref_slice %arg6[%sub3A_94] : memref<6400xi32, #tpu.memory_space<vmem>> -> memref<3200xi32, #tpu.memory_space<vmem>>
        %dma_start3A_98 = tpu.memref_slice %arg3[%add3A_93] : memref<3276800xi32, #tpu.memory_space<hbm>> -> memref<3200xi32, #tpu.memory_space<hbm>>
        tpu.enqueue_dma source(%dma_start3A_98 : memref<3200xi32, #tpu.memory_space<hbm>>) target(%dma_start3A_97 : memref<3200xi32, #tpu.memory_space<vmem>>) target_semaphore(%arg8 : memref<!tpu.dma_semaphore, #tpu.memory_space<semaphore_mem>>)
      } else {
      }
      %scan3A_84 = arith.constant 0 : i32
      %scan3A_85 = arith.constant 8 : i32
      %scan3A_86 = arith.addi %scan3A_84, %scan3A_85 : i32
      %scan3A_87 = arith.constant 1 : i32
      scf.for %scan3A_89 = %scan3A_84 to %scan3A_86 step %scan3A_87  : i32 {
        %mul3A_90 = arith.constant 1 : i32
        %mul3A_91 = arith.muli %scan3A_89, %mul3A_90 : i32
        %add3A_92 = arith.constant 0 : i32
        %add3A_93 = arith.addi %add3A_92, %mul3A_91 : i32
        %mul3A_94 = arith.constant 8 : i32
        %mul3A_95 = arith.muli %add3A_60, %mul3A_94 : i32
        %add3A_96 = arith.addi %mul3A_95, %add3A_93 : i32
        %jit3A_97 = arith.constant 2 : i32
        %eq3A_98 = arith.constant 0 : i32
        %eq3A_99 = arith.cmpi eq, %jit3A_97, %eq3A_98 : i32
        %jit3A_100 = arith.constant 1 : i32
        %select_n3A_101 = arith.select %eq3A_99, %jit3A_100, %jit3A_97 : i32
        %rem3A_102 = arith.remsi %add3A_96, %select_n3A_101 : i32
        %ne3A_103 = arith.constant 0 : i32
        %ne3A_104 = arith.cmpi ne, %rem3A_102, %ne3A_103 : i32
        %lt3A_105 = arith.constant 0 : i32
        %lt3A_106 = arith.cmpi slt, %rem3A_102, %lt3A_105 : i32
        %lt3A_107 = arith.constant 0 : i32
        %lt3A_108 = arith.cmpi slt, %select_n3A_101, %lt3A_107 : i32
        %ne3A_109 = arith.xori %lt3A_106, %lt3A_108 : i1
        %and3A_110 = arith.andi %ne3A_109, %ne3A_104 : i1
        %add3A_111 = arith.addi %rem3A_102, %select_n3A_101 : i32
        %select_n3A_112 = arith.select %and3A_110, %add3A_111, %rem3A_102 : i32
        %ge3A = arith.constant 2 : i32
        %ge3A_113 = arith.cmpi sge, %add3A_96, %ge3A : i32
        %convert_element_type3A_114 = arith.extui %ge3A_113 : i1 to i32
        %cond3A_115 = arith.constant 0 : i32
        %cond3A_116 = arith.cmpi ne, %convert_element_type3A_114, %cond3A_115 : i32
        scf.if %cond3A_116 {
          %sub3A = arith.constant 2 : i32
          %sub3A_134 = arith.subi %add3A_96, %sub3A : i32
          %mul3A_135 = arith.constant 400 : i32
          %mul3A_136 = arith.muli %sub3A_134, %mul3A_135 : i32
          %add3A_137 = arith.addi %mul3A_2, %mul3A_136 : i32
          %dma_wait3A_138 = arith.constant 0 : i32
          %dma_wait3A_139 = arith.constant 0 : i32
          %dma_wait3A_140 = tpu.memref_slice %arg7[%select_n3A_112, %dma_wait3A_138, %dma_wait3A_139] : memref<2x400x8xf32, #tpu.memory_space<vmem>> -> memref<1x400x8xf32, #tpu.memory_space<vmem>>
          %dma_wait3A_141 = tpu.memref_squeeze %dma_wait3A_140 : memref<1x400x8xf32, #tpu.memory_space<vmem>> -> memref<400x8xf32, #tpu.memory_space<vmem>>
          %dma_wait3A_142 = arith.constant 0 : i32
          %dma_wait3A_143 = tpu.memref_slice %arg4[%add3A_137, %dma_wait3A_142] : memref<3276800x8xf32, #tpu.memory_space<hbm>> -> memref<400x8xf32, #tpu.memory_space<hbm>>
          %dma_wait3A_144 = arith.constant 0 : i32
          %dma_wait3A_145 = tpu.memref_slice %arg4[%add3A_137, %dma_wait3A_144] : memref<3276800x8xf32, #tpu.memory_space<hbm>> -> memref<400x8xf32, #tpu.memory_space<hbm>>
          %dma_wait3A_146 = arith.constant 0 : i32
          %dma_wait3A_147 = arith.constant 0 : i32
          %dma_wait3A_148 = tpu.memref_slice %arg7[%select_n3A_112, %dma_wait3A_146, %dma_wait3A_147] : memref<2x400x8xf32, #tpu.memory_space<vmem>> -> memref<1x400x8xf32, #tpu.memory_space<vmem>>
          %dma_wait3A_149 = tpu.memref_squeeze %dma_wait3A_148 : memref<1x400x8xf32, #tpu.memory_space<vmem>> -> memref<400x8xf32, #tpu.memory_space<vmem>>
          tpu.wait_dma2 semaphore(%arg9 : memref<!tpu.dma_semaphore, #tpu.memory_space<semaphore_mem>>) src(%dma_wait3A_149 : memref<400x8xf32, #tpu.memory_space<vmem>>) dst(%dma_wait3A_145 : memref<400x8xf32, #tpu.memory_space<hbm>>)
        } else {
        }
        %parallel_loop3A = arith.constant 0 : i32
        %parallel_loop3A_117 = arith.constant 25 : i32
        %parallel_loop3A_118 = arith.constant 1 : i32
        scf.for %parallel_loop3A_134 = %parallel_loop3A to %parallel_loop3A_117 step %parallel_loop3A_118  : i32 {
          %parallel_loop3A_135 = arith.constant 400 : i32
          %parallel_loop3A_136 = arith.muli %add3A_93, %parallel_loop3A_135 : i32
          %parallel_loop3A_137 = arith.addi %mul3A_71, %parallel_loop3A_136 : i32
          %parallel_loop3A_138 = arith.constant 16 : i32
          %parallel_loop3A_139 = arith.muli %parallel_loop3A_134, %parallel_loop3A_138 : i32
          %parallel_loop3A_140 = arith.addi %parallel_loop3A_137, %parallel_loop3A_139 : i32
          %parallel_loop3A_141 = arith.index_cast %parallel_loop3A_140 : i32 to index
          %parallel_loop3A_142 = tpu.vector_load %arg6[%parallel_loop3A_141] {strides = array<i32>} : memref<6400xi32, #tpu.memory_space<vmem>>, vector<16xi32>,
          %parallel_loop3A_143 = arith.constant 127 : i32
          %parallel_loop3A_144 = vector.broadcast %parallel_loop3A_143 : i32 to vector<16xi32>
          %parallel_loop3A_145 = arith.andi %parallel_loop3A_142, %parallel_loop3A_144 : vector<16xi32>
          %parallel_loop3A_146 = arith.constant 8 : i32
          %parallel_loop3A_147 = vector.broadcast %parallel_loop3A_146 : i32 to vector<16xi32>
          %parallel_loop3A_148 = arith.muli %parallel_loop3A_145, %parallel_loop3A_147 : vector<16xi32>
          %parallel_loop3A_149 = arith.constant 16 : i32
          %parallel_loop3A_150 = arith.muli %parallel_loop3A_134, %parallel_loop3A_149 : i32
          %parallel_loop3A_151 = vector.broadcast %parallel_loop3A_150 : i32 to vector<16xi32>
          %parallel_loop3A_152 = arith.addi %iota3A, %parallel_loop3A_151 : vector<16xi32>
          %parallel_loop3A_153 = arith.constant 0 : i32
          %parallel_loop3A_154 = vector.broadcast %parallel_loop3A_153 : i32 to vector<16xi32>
          %parallel_loop3A_155 = arith.addi %parallel_loop3A_148, %parallel_loop3A_154 : vector<16xi32>
          %parallel_loop3A_156 = tpu.vector_load_idx %arg5[%parallel_loop3A_155] : memref<1024xf32, #tpu.memory_space<vmem>>[vector<16xi32>], vector<16xf32>,
          %parallel_loop3A_157 = arith.constant 0 : i32
          %parallel_loop3A_158 = arith.constant 0 : i32
          %parallel_loop3A_159 = tpu.memref_slice %arg7[%select_n3A_112, %parallel_loop3A_157, %parallel_loop3A_158] : memref<2x400x8xf32, #tpu.memory_space<vmem>> -> memref<1x400x8xf32, #tpu.memory_space<vmem>>
          %parallel_loop3A_160 = tpu.memref_squeeze %parallel_loop3A_159 : memref<1x400x8xf32, #tpu.memory_space<vmem>> -> memref<400x8xf32, #tpu.memory_space<vmem>>
          tpu.vector_store_idx %parallel_loop3A_160[%parallel_loop3A_152, %broadcast_in_dim3A_8], %parallel_loop3A_156 : memref<400x8xf32, #tpu.memory_space<vmem>>[vector<16xi32>, vector<16xi32>], vector<16xf32>,
          %parallel_loop3A_161 = arith.constant 1 : i32
          %parallel_loop3A_162 = vector.broadcast %parallel_loop3A_161 : i32 to vector<16xi32>
          %parallel_loop3A_163 = arith.addi %parallel_loop3A_148, %parallel_loop3A_162 : vector<16xi32>
          %parallel_loop3A_164 = tpu.vector_load_idx %arg5[%parallel_loop3A_163] : memref<1024xf32, #tpu.memory_space<vmem>>[vector<16xi32>], vector<16xf32>,
          %parallel_loop3A_165 = arith.constant 0 : i32
          %parallel_loop3A_166 = arith.constant 0 : i32
          %parallel_loop3A_167 = tpu.memref_slice %arg7[%select_n3A_112, %parallel_loop3A_165, %parallel_loop3A_166] : memref<2x400x8xf32, #tpu.memory_space<vmem>> -> memref<1x400x8xf32, #tpu.memory_space<vmem>>
          %parallel_loop3A_168 = tpu.memref_squeeze %parallel_loop3A_167 : memref<1x400x8xf32, #tpu.memory_space<vmem>> -> memref<400x8xf32, #tpu.memory_space<vmem>>
          tpu.vector_store_idx %parallel_loop3A_168[%parallel_loop3A_152, %broadcast_in_dim3A_10], %parallel_loop3A_164 : memref<400x8xf32, #tpu.memory_space<vmem>>[vector<16xi32>, vector<16xi32>], vector<16xf32>,
          %parallel_loop3A_169 = arith.constant 2 : i32
          %parallel_loop3A_170 = vector.broadcast %parallel_loop3A_169 : i32 to vector<16xi32>
          %parallel_loop3A_171 = arith.addi %parallel_loop3A_148, %parallel_loop3A_170 : vector<16xi32>
          %parallel_loop3A_172 = tpu.vector_load_idx %arg5[%parallel_loop3A_171] : memref<1024xf32, #tpu.memory_space<vmem>>[vector<16xi32>], vector<16xf32>,
          %parallel_loop3A_173 = arith.constant 0 : i32
          %parallel_loop3A_174 = arith.constant 0 : i32
          %parallel_loop3A_175 = tpu.memref_slice %arg7[%select_n3A_112, %parallel_loop3A_173, %parallel_loop3A_174] : memref<2x400x8xf32, #tpu.memory_space<vmem>> -> memref<1x400x8xf32, #tpu.memory_space<vmem>>
          %parallel_loop3A_176 = tpu.memref_squeeze %parallel_loop3A_175 : memref<1x400x8xf32, #tpu.memory_space<vmem>> -> memref<400x8xf32, #tpu.memory_space<vmem>>
          tpu.vector_store_idx %parallel_loop3A_176[%parallel_loop3A_152, %broadcast_in_dim3A_12], %parallel_loop3A_172 : memref<400x8xf32, #tpu.memory_space<vmem>>[vector<16xi32>, vector<16xi32>], vector<16xf32>,
          %parallel_loop3A_177 = arith.constant 3 : i32
          %parallel_loop3A_178 = vector.broadcast %parallel_loop3A_177 : i32 to vector<16xi32>
          %parallel_loop3A_179 = arith.addi %parallel_loop3A_148, %parallel_loop3A_178 : vector<16xi32>
          %parallel_loop3A_180 = tpu.vector_load_idx %arg5[%parallel_loop3A_179] : memref<1024xf32, #tpu.memory_space<vmem>>[vector<16xi32>], vector<16xf32>,
          %parallel_loop3A_181 = arith.constant 0 : i32
          %parallel_loop3A_182 = arith.constant 0 : i32
          %parallel_loop3A_183 = tpu.memref_slice %arg7[%select_n3A_112, %parallel_loop3A_181, %parallel_loop3A_182] : memref<2x400x8xf32, #tpu.memory_space<vmem>> -> memref<1x400x8xf32, #tpu.memory_space<vmem>>
          %parallel_loop3A_184 = tpu.memref_squeeze %parallel_loop3A_183 : memref<1x400x8xf32, #tpu.memory_space<vmem>> -> memref<400x8xf32, #tpu.memory_space<vmem>>
          tpu.vector_store_idx %parallel_loop3A_184[%parallel_loop3A_152, %broadcast_in_dim3A_14], %parallel_loop3A_180 : memref<400x8xf32, #tpu.memory_space<vmem>>[vector<16xi32>, vector<16xi32>], vector<16xf32>,
          %parallel_loop3A_185 = arith.constant 4 : i32
          %parallel_loop3A_186 = vector.broadcast %parallel_loop3A_185 : i32 to vector<16xi32>
          %parallel_loop3A_187 = arith.addi %parallel_loop3A_148, %parallel_loop3A_186 : vector<16xi32>
          %parallel_loop3A_188 = tpu.vector_load_idx %arg5[%parallel_loop3A_187] : memref<1024xf32, #tpu.memory_space<vmem>>[vector<16xi32>], vector<16xf32>,
          %parallel_loop3A_189 = arith.constant 0 : i32
          %parallel_loop3A_190 = arith.constant 0 : i32
          %parallel_loop3A_191 = tpu.memref_slice %arg7[%select_n3A_112, %parallel_loop3A_189, %parallel_loop3A_190] : memref<2x400x8xf32, #tpu.memory_space<vmem>> -> memref<1x400x8xf32, #tpu.memory_space<vmem>>
          %parallel_loop3A_192 = tpu.memref_squeeze %parallel_loop3A_191 : memref<1x400x8xf32, #tpu.memory_space<vmem>> -> memref<400x8xf32, #tpu.memory_space<vmem>>
          tpu.vector_store_idx %parallel_loop3A_192[%parallel_loop3A_152, %broadcast_in_dim3A_16], %parallel_loop3A_188 : memref<400x8xf32, #tpu.memory_space<vmem>>[vector<16xi32>, vector<16xi32>], vector<16xf32>,
          %parallel_loop3A_193 = arith.constant 5 : i32
          %parallel_loop3A_194 = vector.broadcast %parallel_loop3A_193 : i32 to vector<16xi32>
          %parallel_loop3A_195 = arith.addi %parallel_loop3A_148, %parallel_loop3A_194 : vector<16xi32>
          %parallel_loop3A_196 = tpu.vector_load_idx %arg5[%parallel_loop3A_195] : memref<1024xf32, #tpu.memory_space<vmem>>[vector<16xi32>], vector<16xf32>,
          %parallel_loop3A_197 = arith.constant 0 : i32
          %parallel_loop3A_198 = arith.constant 0 : i32
          %parallel_loop3A_199 = tpu.memref_slice %arg7[%select_n3A_112, %parallel_loop3A_197, %parallel_loop3A_198] : memref<2x400x8xf32, #tpu.memory_space<vmem>> -> memref<1x400x8xf32, #tpu.memory_space<vmem>>
          %parallel_loop3A_200 = tpu.memref_squeeze %parallel_loop3A_199 : memref<1x400x8xf32, #tpu.memory_space<vmem>> -> memref<400x8xf32, #tpu.memory_space<vmem>>
          tpu.vector_store_idx %parallel_loop3A_200[%parallel_loop3A_152, %broadcast_in_dim3A_18], %parallel_loop3A_196 : memref<400x8xf32, #tpu.memory_space<vmem>>[vector<16xi32>, vector<16xi32>], vector<16xf32>,
          %parallel_loop3A_201 = arith.constant 6 : i32
          %parallel_loop3A_202 = vector.broadcast %parallel_loop3A_201 : i32 to vector<16xi32>
          %parallel_loop3A_203 = arith.addi %parallel_loop3A_148, %parallel_loop3A_202 : vector<16xi32>
          %parallel_loop3A_204 = tpu.vector_load_idx %arg5[%parallel_loop3A_203] : memref<1024xf32, #tpu.memory_space<vmem>>[vector<16xi32>], vector<16xf32>,
          %parallel_loop3A_205 = arith.constant 0 : i32
          %parallel_loop3A_206 = arith.constant 0 : i32
          %parallel_loop3A_207 = tpu.memref_slice %arg7[%select_n3A_112, %parallel_loop3A_205, %parallel_loop3A_206] : memref<2x400x8xf32, #tpu.memory_space<vmem>> -> memref<1x400x8xf32, #tpu.memory_space<vmem>>
          %parallel_loop3A_208 = tpu.memref_squeeze %parallel_loop3A_207 : memref<1x400x8xf32, #tpu.memory_space<vmem>> -> memref<400x8xf32, #tpu.memory_space<vmem>>
          tpu.vector_store_idx %parallel_loop3A_208[%parallel_loop3A_152, %broadcast_in_dim3A_20], %parallel_loop3A_204 : memref<400x8xf32, #tpu.memory_space<vmem>>[vector<16xi32>, vector<16xi32>], vector<16xf32>,
          %parallel_loop3A_209 = arith.constant 7 : i32
          %parallel_loop3A_210 = vector.broadcast %parallel_loop3A_209 : i32 to vector<16xi32>
          %parallel_loop3A_211 = arith.addi %parallel_loop3A_148, %parallel_loop3A_210 : vector<16xi32>
          %parallel_loop3A_212 = tpu.vector_load_idx %arg5[%parallel_loop3A_211] : memref<1024xf32, #tpu.memory_space<vmem>>[vector<16xi32>], vector<16xf32>,
          %parallel_loop3A_213 = arith.constant 0 : i32
          %parallel_loop3A_214 = arith.constant 0 : i32
          %parallel_loop3A_215 = tpu.memref_slice %arg7[%select_n3A_112, %parallel_loop3A_213, %parallel_loop3A_214] : memref<2x400x8xf32, #tpu.memory_space<vmem>> -> memref<1x400x8xf32, #tpu.memory_space<vmem>>
          %parallel_loop3A_216 = tpu.memref_squeeze %parallel_loop3A_215 : memref<1x400x8xf32, #tpu.memory_space<vmem>> -> memref<400x8xf32, #tpu.memory_space<vmem>>
          tpu.vector_store_idx %parallel_loop3A_216[%parallel_loop3A_152, %broadcast_in_dim3A_22], %parallel_loop3A_212 : memref<400x8xf32, #tpu.memory_space<vmem>>[vector<16xi32>, vector<16xi32>], vector<16xf32>,
        } {sc.loop_unroll_factor = 5 : i64, sc.parallel_access}
        %mul3A_119 = arith.constant 400 : i32
        %mul3A_120 = arith.muli %add3A_96, %mul3A_119 : i32
        %add3A_121 = arith.addi %mul3A_2, %mul3A_120 : i32
        %dma_start3A_122 = arith.constant 0 : i32
        %dma_start3A_123 = arith.constant 0 : i32
        %dma_start3A_124 = tpu.memref_slice %arg7[%select_n3A_112, %dma_start3A_122, %dma_start3A_123] : memref<2x400x8xf32, #tpu.memory_space<vmem>> -> memref<1x400x8xf32, #tpu.memory_space<vmem>>
        %dma_start3A_125 = tpu.memref_squeeze %dma_start3A_124 : memref<1x400x8xf32, #tpu.memory_space<vmem>> -> memref<400x8xf32, #tpu.memory_space<vmem>>
        %dma_start3A_126 = arith.constant 0 : i32
        %dma_start3A_127 = tpu.memref_slice %arg4[%add3A_121, %dma_start3A_126] : memref<3276800x8xf32, #tpu.memory_space<hbm>> -> memref<400x8xf32, #tpu.memory_space<hbm>>
        %dma_start3A_128 = arith.constant 0 : i32
        %dma_start3A_129 = tpu.memref_slice %arg4[%add3A_121, %dma_start3A_128] : memref<3276800x8xf32, #tpu.memory_space<hbm>> -> memref<400x8xf32, #tpu.memory_space<hbm>>
        %dma_start3A_130 = arith.constant 0 : i32
        %dma_start3A_131 = arith.constant 0 : i32
        %dma_start3A_132 = tpu.memref_slice %arg7[%select_n3A_112, %dma_start3A_130, %dma_start3A_131] : memref<2x400x8xf32, #tpu.memory_space<vmem>> -> memref<1x400x8xf32, #tpu.memory_space<vmem>>
        %dma_start3A_133 = tpu.memref_squeeze %dma_start3A_132 : memref<1x400x8xf32, #tpu.memory_space<vmem>> -> memref<400x8xf32, #tpu.memory_space<vmem>>
        tpu.enqueue_dma source(%dma_start3A_133 : memref<400x8xf32, #tpu.memory_space<vmem>>) target(%dma_start3A_129 : memref<400x8xf32, #tpu.memory_space<hbm>>) target_semaphore(%arg9 : memref<!tpu.dma_semaphore, #tpu.memory_space<semaphore_mem>>)
      }
      %scan3A_88 = arith.constant 8 : i32
    }
    %scan3A_26 = arith.constant 32 : i32
    %add3A_27 = arith.constant 101600 : i32
    %add3A_28 = arith.addi %mul3A_2, %add3A_27 : i32
    %dma_wait3A = arith.constant 0 : i32
    %dma_wait3A_29 = arith.constant 0 : i32
    %dma_wait3A_30 = arith.constant 0 : i32
    %dma_wait3A_31 = tpu.memref_slice %arg7[%dma_wait3A, %dma_wait3A_29, %dma_wait3A_30] : memref<2x400x8xf32, #tpu.memory_space<vmem>> -> memref<1x400x8xf32, #tpu.memory_space<vmem>>
    %dma_wait3A_32 = tpu.memref_squeeze %dma_wait3A_31 : memref<1x400x8xf32, #tpu.memory_space<vmem>> -> memref<400x8xf32, #tpu.memory_space<vmem>>
    %dma_wait3A_33 = arith.constant 0 : i32
    %dma_wait3A_34 = tpu.memref_slice %arg4[%add3A_28, %dma_wait3A_33] : memref<3276800x8xf32, #tpu.memory_space<hbm>> -> memref<400x8xf32, #tpu.memory_space<hbm>>
    %dma_wait3A_35 = arith.constant 0 : i32
    %dma_wait3A_36 = tpu.memref_slice %arg4[%add3A_28, %dma_wait3A_35] : memref<3276800x8xf32, #tpu.memory_space<hbm>> -> memref<400x8xf32, #tpu.memory_space<hbm>>
    %dma_wait3A_37 = arith.constant 0 : i32
    %dma_wait3A_38 = arith.constant 0 : i32
    %dma_wait3A_39 = tpu.memref_slice %arg7[%dma_wait3A, %dma_wait3A_37, %dma_wait3A_38] : memref<2x400x8xf32, #tpu.memory_space<vmem>> -> memref<1x400x8xf32, #tpu.memory_space<vmem>>
    %dma_wait3A_40 = tpu.memref_squeeze %dma_wait3A_39 : memref<1x400x8xf32, #tpu.memory_space<vmem>> -> memref<400x8xf32, #tpu.memory_space<vmem>>
    tpu.wait_dma2 semaphore(%arg9 : memref<!tpu.dma_semaphore, #tpu.memory_space<semaphore_mem>>) src(%dma_wait3A_40 : memref<400x8xf32, #tpu.memory_space<vmem>>) dst(%dma_wait3A_36 : memref<400x8xf32, #tpu.memory_space<hbm>>)
    %add3A_41 = arith.constant 102000 : i32
    %add3A_42 = arith.addi %mul3A_2, %add3A_41 : i32
    %dma_wait3A_43 = arith.constant 1 : i32
    %dma_wait3A_44 = arith.constant 0 : i32
    %dma_wait3A_45 = arith.constant 0 : i32
    %dma_wait3A_46 = tpu.memref_slice %arg7[%dma_wait3A_43, %dma_wait3A_44, %dma_wait3A_45] : memref<2x400x8xf32, #tpu.memory_space<vmem>> -> memref<1x400x8xf32, #tpu.memory_space<vmem>>
    %dma_wait3A_47 = tpu.memref_squeeze %dma_wait3A_46 : memref<1x400x8xf32, #tpu.memory_space<vmem>> -> memref<400x8xf32, #tpu.memory_space<vmem>>
    %dma_wait3A_48 = arith.constant 0 : i32
    %dma_wait3A_49 = tpu.memref_slice %arg4[%add3A_42, %dma_wait3A_48] : memref<3276800x8xf32, #tpu.memory_space<hbm>> -> memref<400x8xf32, #tpu.memory_space<hbm>>
    %dma_wait3A_50 = arith.constant 0 : i32
    %dma_wait3A_51 = tpu.memref_slice %arg4[%add3A_42, %dma_wait3A_50] : memref<3276800x8xf32, #tpu.memory_space<hbm>> -> memref<400x8xf32, #tpu.memory_space<hbm>>
    %dma_wait3A_52 = arith.constant 0 : i32
    %dma_wait3A_53 = arith.constant 0 : i32
    %dma_wait3A_54 = tpu.memref_slice %arg7[%dma_wait3A_43, %dma_wait3A_52, %dma_wait3A_53] : memref<2x400x8xf32, #tpu.memory_space<vmem>> -> memref<1x400x8xf32, #tpu.memory_space<vmem>>
    %dma_wait3A_55 = tpu.memref_squeeze %dma_wait3A_54 : memref<1x400x8xf32, #tpu.memory_space<vmem>> -> memref<400x8xf32, #tpu.memory_space<vmem>>
    tpu.wait_dma2 semaphore(%arg9 : memref<!tpu.dma_semaphore, #tpu.memory_space<semaphore_mem>>) src(%dma_wait3A_55 : memref<400x8xf32, #tpu.memory_space<vmem>>) dst(%dma_wait3A_51 : memref<400x8xf32, #tpu.memory_space<hbm>>)
    return
  }
}

module attributes {stable_mosaic.version = 14 : i64} {
  func.func @_fuse_body(%arg0: memref<128x8xf32, #tpu.memory_space<vmem>>, %arg1: memref<8x8xf32, #tpu.memory_space<vmem>>, %arg2: memref<1x8xf32, #tpu.memory_space<vmem>>, %arg3: memref<128x8xf32, #tpu.memory_space<vmem>>) attributes {dimension_semantics = [], scalar_prefetch = 0 : i64, scratch_operands = 0 : i64, tpu.core_type = #tpu.core_type<tc>} {
    %get3A = arith.constant 0 : index
    %get3A_0 = arith.constant 0 : index
    %get3A_1 = vector.load %arg0[%get3A, %get3A_0] : memref<128x8xf32, #tpu.memory_space<vmem>>, vector<128x8xf32>
    %get3A_2 = arith.constant 0 : index
    %get3A_3 = arith.constant 0 : index
    %get3A_4 = vector.load %arg1[%get3A_2, %get3A_3] : memref<8x8xf32, #tpu.memory_space<vmem>>, vector<8x8xf32>
    %dot_general3A = arith.constant dense<0.000000e+00> : vector<128x8xf32>
    %dot_general3A_5 = tpu.matmul %get3A_1, %get3A_4, %dot_general3A {dimension_numbers = #tpu.dot_dimension_numbers<[1], [1], [0], [0], [0, 0, 1, 0], [], []>, transpose_lhs_hint = false} : vector<128x8xf32>, vector<8x8xf32>, vector<128x8xf32> -> vector<128x8xf32>
    %get3A_6 = arith.constant 0 : index
    %get3A_7 = arith.constant 0 : index
    %get3A_8 = vector.load %arg2[%get3A_6, %get3A_7] : memref<1x8xf32, #tpu.memory_space<vmem>>, vector<1x8xf32>
    %add3A = vector.broadcast %get3A_8 : vector<1x8xf32> to vector<128x8xf32>
    %add3A_9 = arith.addf %dot_general3A_5, %add3A : vector<128x8xf32>
    %swap3A = arith.constant 0 : index
    %swap3A_10 = arith.constant 0 : index
    %swap3A_11 = vector.load %arg3[%swap3A, %swap3A_10] : memref<128x8xf32, #tpu.memory_space<vmem>>, vector<128x8xf32>
    tpu.vector_store %arg3[%swap3A, %swap3A_10], %add3A_9 {strides = array<i32>} : memref<128x8xf32, #tpu.memory_space<vmem>>, vector<128x8xf32>,
    return
  }
}

</mosaic_0001>

<sc_bundles>
// kernel: kernel.4.cloned.1.call-start
scs
__scs_entry_jumppad:
0x0: {  	(pc) =	sbr.rel $0x88, $3  }
0x1: {  	(tag) =	ssettag $0x0;
	lr =	simm.s32 $0x1  }
0x2: {  	[smem:$0x3F9D] =	sst lr;
	_ =	strace $0xD0000000  }
0x3: {  	_ = 	snop  }
0x4: {  	_ = 	snop  }
0x5: {  	_ = 	snop  }
0x6: {  	_ = 	snop  }
0x7: {  	_ = 	snop  }
__scs_overlays_trampoline_lowered:
0x8: {  	[smem:$0x3FAC] =	sst s0  }
0x9: {  	[smem:$0x3FAD] =	sst s1  }
0xa: {  	[smem:$0x3FAE] =	sst s2  }
0xb: {  	[smem:$0x3FAF] =	sst s3  }
0xc: {  	[smem:$0x3FB0] =	sst s4  }
0xd: {  	[smem:$0x3FB1] =	sst s5  }
0xe: {  	[smem:$0x3FB2] =	sst s6  }
0xf: {  	[smem:$0x3FB3] =	sst s7  }
0x10: {  	[smem:$0x3FB4] =	sst s8  }
0x11: {  	[smem:$0x3FB5] =	sst s9;
	s0 =	simm.s32 @!p0 $0x0  }
0x12: {  	s1 =	sld [smem:$0x3F9B];
	s0 =	simm.s32 @p0 $0x1  }
0x13: {  	[smem:$0x3FB6] =	sst s0;
	s0 =	simm.s32 @!p1 $0x0  }
0x14: {  	s2 =	sld [smem:$0x3F9A];
	s0 =	simm.s32 @p1 $0x1  }
0x15: {  	[smem:$0x3FB7] =	sst s0;
	s0 =	simm.s32 @!p2 $0x0  }
0x16: {  	s3 =	sld [smem:$0x3FDB];
	s0 =	simm.s32 @p2 $0x1  }
0x17: {  	s4 =	simm.s32 $0x1BF5;
	[smem:$0x3FB9] =	sst s0  }
0x18: {  	s0 =	sld [smem:$0x3F9C];
	_ =	swait.ge [sflag:s4], $0x0  }
0x19: {  	s7 =	sld [smem:$0x3F9D]  }
0x1a: {  	s8 =	sadd.s32 $0xFFFFE003, lr  }
0x1b: {  	s9 =	sadd.s32 $0xFFFFFEF7, lr;
	s5 =	simm.s32 $0xFFFFFFFF;
	p2 =	slt.u32 s8, $0xFFFFF086  }
0x1c: {  	p1 =	slt.u32 s9, $0xF7A;
	s5 =	simm.s32 @!p2 $0x0  }
0x1d: {  	s5 =	simm.s32 @p1 $0x1;
	p0 =	seq.s32 s7, s2  }
0x1e: {  	s7 =	smul.u32 @!p0 $0xF7A, s2;
	p2 =	seq.s32 @!p0 s5, $0x0  }
0x1f: {  	s9 =	smul.u32 $0xF7A, s1;
	s8 =	simm.s32 @!p0 $0x1BF5;
	p2 =	por !p2, p0  }
0x20: {  	[sflag:s8] =	ssyncset.s32 @!p0 $0xFFFFF086;
	s6 =	sadd.s32 @!p0 s3, s7;
	s7 =	simm.s32 @!p0 $0x108  }
0x21: {  	s3 =	sadd.s32 s3, s9;
	s6 =	sadd.s32 @!p0 $0x88, s6;
	s7 =	simm.s32 @p2 $0x1082  }
0x22: {  	[simem:s7], [sflag:s8] =	dma.local @!p0 [hbm:s6], $0xF7A  }
0x23: {  	s9 =	sor.u32 $0xD0000000, s2;
	s6 =	simm.s32 $0x108;
	_ =	swait.ge @!p0 [sflag:s8], $0x0  }
0x24: {  	s3 =	sadd.s32 $0x88, s3;
	s6 =	simm.s32 @!p1 $0x1082;
	[sflag:s4] =	ssyncset.s32 $0xFFFFF086  }
0x25: {  	[simem:s6], [sflag:s4] =	dma.local [hbm:s3], $0xF7A  }
0x26: {  	[smem:$0x3F9D] =	sst s1;
	(tag) =	ssettag s2;
	_ =	strace s9  }
0x27: {  	s1 =	sld [smem:$0x3FAD]  }
0x28: {  	s2 =	sld [smem:$0x3FAE]  }
0x29: {  	s4 =	sld [smem:$0x3FB0]  }
0x2a: {  	p0 =	seq.s32 s5, $0x0;
	s5 =	sld [smem:$0x3FB1]  }
0x2b: {  	s6 =	sld [smem:$0x3FB2]  }
0x2c: {  	s7 =	sld [smem:$0x3FB3]  }
0x2d: {  	s3 =	simm.s32 $0x108;
	s8 =	sld [smem:$0x3FB4]  }
0x2e: {  	s3 =	simm.s32 @!p0 $0x1082;
	s9 =	sld [smem:$0x3FB5]  }
0x2f: {  	lr =	sadd.s32 s0, s3;
	s0 =	sld [smem:$0x3FAC]  }
0x30: {  	s3 =	sld [smem:$0x3FAF]  }
0x31: {  	[smem:$0x3FB8] =	sst s10  }
0x32: {  	s10 =	sld [smem:$0x3FB6];
	_ =	sdelay $0x3  }
0x33: {  	p0 =	seq.s32 s10, $0x1;
	s10 =	sld [smem:$0x3FB8];
	_ =	sdelay $0x3  }
0x34: {  	[smem:$0x3FB8] =	sst s10  }
0x35: {  	s10 =	sld [smem:$0x3FB7];
	_ =	sdelay $0x3  }
0x36: {  	p1 =	seq.s32 s10, $0x1;
	s10 =	sld [smem:$0x3FB8];
	_ =	sdelay $0x3  }
0x37: {  	[smem:$0x3FB8] =	sst s10  }
0x38: {  	s10 =	sld [smem:$0x3FB9]  }
0x39: {  	_ = 	snop;
	(pc) =	sbr.ind lr, $3  }
0x3a: {  	_ = 	snop  }
0x3b: {  	_ = 	snop  }
0x3c: {  	p2 =	seq.s32 s10, $0x1;
	s10 =	sld [smem:$0x3FB8]  }
0x3d: {  	_ =	shalt  }
0x3e: {  	_ =	shalt  }
0x3f: {  	_ =	shalt  }
0x40: {  	_ =	shalt  }
0x41: {  	_ =	shalt  }
0x42: {  	_ =	shalt  }
0x43: {  	_ =	shalt  }
0x44: {  	_ =	shalt  }
0x45: {  	_ =	shalt  }
0x46: {  	_ =	shalt  }
0x47: {  	_ =	shalt  }
0x48: {  	_ =	shalt  }
0x49: {  	_ =	shalt  }
0x4a: {  	_ =	shalt  }
0x4b: {  	_ =	shalt  }
0x4c: {  	_ =	shalt  }
0x4d: {  	_ =	shalt  }
0x4e: {  	_ =	shalt  }
0x4f: {  	_ =	shalt  }
0x50: {  	_ =	shalt  }
0x51: {  	_ =	shalt  }
0x52: {  	_ =	shalt  }
0x53: {  	_ =	shalt  }
0x54: {  	_ =	shalt  }
0x55: {  	_ =	shalt  }
0x56: {  	_ =	shalt  }
0x57: {  	_ =	shalt  }
0x58: {  	_ =	shalt  }
0x59: {  	_ =	shalt  }
0x5a: {  	_ =	shalt  }
0x5b: {  	_ =	shalt  }
0x5c: {  	_ =	shalt  }
0x5d: {  	_ =	shalt  }
0x5e: {  	_ =	shalt  }
0x5f: {  	_ =	shalt  }
0x60: {  	_ =	shalt  }
0x61: {  	_ =	shalt  }
0x62: {  	_ =	shalt  }
0x63: {  	_ =	shalt  }
0x64: {  	_ =	shalt  }
0x65: {  	_ =	shalt  }
0x66: {  	_ =	shalt  }
0x67: {  	_ =	shalt  }
0x68: {  	_ =	shalt  }
0x69: {  	_ =	shalt  }
0x6a: {  	_ =	shalt  }
0x6b: {  	_ =	shalt  }
0x6c: {  	_ =	shalt  }
0x6d: {  	_ =	shalt  }
0x6e: {  	_ =	shalt  }
0x6f: {  	_ =	shalt  }
0x70: {  	_ =	shalt  }
0x71: {  	_ =	shalt  }
0x72: {  	_ =	shalt  }
0x73: {  	_ =	shalt  }
0x74: {  	_ =	shalt  }
0x75: {  	_ =	shalt  }
0x76: {  	_ =	shalt  }
0x77: {  	_ =	shalt  }
0x78: {  	_ =	shalt  }
0x79: {  	_ =	shalt  }
0x7a: {  	_ =	shalt  }
0x7b: {  	_ =	shalt  }
0x7c: {  	_ =	shalt  }
0x7d: {  	_ =	shalt  }
0x7e: {  	_ =	shalt  }
0x7f: {  	_ =	shalt  }
0x80: {  	_ =	shalt  }
0x81: {  	_ =	shalt  }
0x82: {  	_ =	shalt  }
0x83: {  	_ =	shalt  }
0x84: {  	_ =	shalt  }
0x85: {  	_ =	shalt  }
0x86: {  	_ =	shalt  }
0x87: {  	_ =	shalt  }
.Lfunc_end0:
.L_simem_size_0:
called_computation.1_lowered:
.L_overlay_start_0:
0x88: {  	s2 =	sld [smem:$0x3FD9]  }
0x89: {  	s3 =	sld [smem:$0x3FFE];
	_ =	sdelay $0x1  }
0x8a: {  	s1 =	srdreg.scid  }
0x8b: {  	s0 =	sand.u32 $0x1, s1  }
0x8c: {  	s17 =	sshll.u32 s0, $0xA;
	s2 =	sadd.s32 s3, s2  }
0x8d: {  	s2 =	sadd.s32 s2, s17  }
0x8e: {  	[smem:$0x3FC4] =	sst s2  }
0x8f: {  	_ = 	snop  }
0x90: {  	s2 =	sld [smem:$0x3FD0];
	(tm) =	ssettm $0x1  }
0x91: {  	s18 =	sld [smem:$0x3FFB];
	_ =	sdelay $0x3  }
0x92: {  	_ =	strace s18  }
0x93: {  	s3 =	sld [smem:$0x3FFC];
	_ =	sdelay $0x3  }
0x94: {  	_ =	strace s3  }
0x95: {  	s3 =	sld [smem:$0x3FFD];
	_ =	sdelay $0x3  }
0x96: {  	_ =	strace s3  }
0x97: {  	_ =	strace $0x8FFFFFFF  }
0x98: {  	s19 =	sld [smem:$0x3FDB];
	_ =	sdelay $0x1  }
0x99: {  	s4 =	simm.s32 $_scs_section_size  }
0x9a: {  	s5 =	simm.s32 $_size__tile_overlayer_lowered;
	s6 =	simm.s32 $_tile_overlayer_lowered  }
0x9b: {  	s22 =	simm.s32 $0x1BFF;
	s21 =	sshll.u32 s6, $0x1;
	s3 =	sadd.s32 s4, s19  }
0x9c: {  	s7 =	simm.s32 $0x0;
	s20 =	sshll.u32 s5, $0x1;
	s5 =	sadd.s32 s21, s3  }
0x9d: {  	[timem:s7], [sflag:s22] =	dma.local [hbm:s5], s20  }
0x9e: {  	_ =	swait.ge [sflag:s22], s20  }
0x9f: {  	s4 =	ssub.s32 $0x0, s20;
	[sflag:s22] =	ssyncset.done $0x0  }
0xa0: {  	[sflag:s22] =	ssyncadd.s32 s4;
	_ =	sdelay $0x1  }
0xa1: {  	s23 =	simm.s32 $0x1B8B  }
0xa2: {  	_ =	swait.ge [sflag:s23], $0x1  }
0xa3: {  	[sflag:s23] =	ssyncset.done $0x0  }
0xa4: {  	s25 =	simm.s32 $0x1B8E;
	s24 =	sld [smem:$0x3FFE];
	[sflag:s23] =	ssyncadd.s32 $0xFFFFFFFF  }
0xa5: {  	s26 =	simm.s32 $execute0_lowered;
	[smem:$0x3FD2] =	sst s25  }
0xa6: {  	s5 =	sshll.u32 s26, $0x1;
	_ =	strace $0x80000046;
	[dreg:$0x1] =	wrdreg $0xFFFFFFFF  }
0xa7: {  	s28 =	simm.s32 $_size_execute0_lowered;
	s3 =	sadd.s32 s3, s5;
	[dreg:$0x0] =	wrdreg $0x0  }
0xa8: {  	s5 =	sshll.u32 s28, $0x1;
	[dreg:$0x2] =	wrdreg s3  }
0xa9: {  	[dreg:$0x3] =	wrdreg s5  }
0xaa: {  	[dreg:$0x4] =	wrdreg $0xC0  }
0xab: {  	_ =	task [dreg:s7], $0x5FFFF  }
0xac: {  	[dreg:$0x1] =	wrdreg $0xFFFFFFFF  }
0xad: {  	[dreg:$0x0] =	wrdreg $0x60  }
0xae: {  	[dreg:$0x2] =	wrdreg s24  }
0xaf: {  	[dreg:$0x3] =	wrdreg s2  }
0xb0: {  	[dreg:$0x4] =	wrdreg $0x9  }
0xb1: {  	_ =	task.clear_ibuf [dreg:s7], $0x5FFFF;
	_ =	strace $0x90000046  }
0xb2: {  	s29 =	simm.s32 $0x9;
	_ =	strace $0x80000048  }
0xb3: {  	_ =	swait.ge [sflag:s29], $0x1  }
0xb4: {  	[sflag:s29] =	ssyncadd.s32 $0xFFFFFFFF  }
0xb5: {  	_ =	strace $0x90000048  }
0xb6: {  	_ =	sfence  }
0xb7: {  	s30 =	sld [smem:$0x0];
	_ =	sdelay $0x2  }
0xb8: {  	s31 =	sshll.u32 s1, $0xD;
	s1 =	sshrl.u32 s1, $0x2  }
0xb9: {  	s3 =	sand.u32 $0x4000, s31;
	s1 =	sadd.s32 s1, s30  }
0xba: {  	s0 =	sor.u32 s3, s0;
	s1 =	sshll.u32 s1, $0x11  }
0xbb: {  	s0 =	sor.u32 s1, s0  }
0xbc: {  	s0 =	sadd.s32 $0x8F2B, s0  }
0xbd: {  	[sflag:s0] =	ssyncadd.remote.s32 $0x1  }
0xbe: {  	_ =	sfence.sel $0xFFFF  }
0xbf: {  	[dreg:$0x0] =	wrdreg $0xFFFFFFFF;
	(pc) =	sbr.abs _section_cstart, $3  }
0xc0: {  	[dreg:$0x1] =	wrdreg $0xFFFFFFFF  }
0xc1: {  	_ =	task.clear_ibuf [dreg:s7], $0x2FFFF;
	_ =	strace $0x9FFFFFFF  }
0xc2: {  	(tm) =	ssettm $0x7FFFFFFF  }
0xc3: {  	_ =	shalt  }
tec
execute0_lowered:
.L_overlay_start_1:
0x0: {  	(tag) =	ssettag $0x1  }
0x1: {  	s6 =	rddreg [dreg:$0x0];
	s1 =	srdreg.scid  }
0x2: {  	s0 =	stileid.u32;
	s2 =	rddreg [dreg:$0x1]  }
0x3: {  	s3 =	simm.s32 $0x0;
	s10 =	simm.s32 $0x400;
	s11 =	simm.s32 $0x1  }
0x4: {  	s12 =	simm.s32 $0x2;
	s5 =	sand.u32 $0x1, s1;
	s4 =	sshll.u32 s0, $0x1  }
0x5: {  	s13 =	simm.s32 $0x0;
	s1 =	rddreg [dreg:$0x2];
	s4 =	sor.u32 s5, s4  }
0x6: {  	[smem:$0x7FF] =	sst s3;
	s7 =	ssub.s32 $0x2, s5;
	s4 =	smul.u32 $0x19000, s4  }
0x7: {  	_ =	strace $0x80000047;
	s5 =	sadd.s32 $0xC00, s6;
	s8 =	sshrl.u32 s7, $0x1  }
0x8: {  	v0 =	vlaneseq.u32;
	s6 =	sadd.s32 $0xE00, s6;
	s8 =	ssub.s32 s7, s8;
	s9 =	sshrl.u32 s4, $0x3  }
0x9: {  	v61 =	vmul.u32 $0x80, v0;
	s8 =	smax.u32 s8, $0x1;
	s7 =	sadd.s32 s2, s9;
	s9 =	simm.s32 $0x3  }
.LBB2_1:
0xa: {  	[tilespmem:s3], [sflag:$0x3] =	stream.linear.gather [hbm4b:s5+s3], $0x400, $0x38;
	[tilespmem:$0x1AD00] =	vst v63  }
0xb: {  	_ =	swait.ge [sflag:s9], $0x400  }
0xc: {  	[sflag:s9] =	ssyncset.done $0x0  }
0xd: {  	s14 =	simm.s32 $0x0;
	[sflag:s9] =	ssyncadd.s32 $0xFFFFFC00  }
0xe: {  	[tilespmem:s10], [sflag:$0x1] =	stream.linear.gather [hbm4b:s7+s3], $0xC80, $0x38;
	[tilespmem:$0x1AD00] =	vst v63  }
.LBB2_3:
0xf: {  	s15 =	smov.u32 s14  }
0x10: {  	s14 =	sadd.s32 $0x1, s14;
	p0 =	seq.s32 s15, $0x1F  }
0x11: {  	_ =	swait.ge [sflag:s11], $0xC80;
	s17 =	smul.u32 @!p0 $0xC80, s14  }
0x12: {  	s16 =	sand.u32 $0x1, s15;
	[sflag:s11] =	ssyncset.done $0x0;
	s15 =	sshll.u32 s15, $0x3  }
0x13: {  	p1 =	seq.s32 s16, $0x1;
	s16 =	simm.s32 $0xC80;
	s17 =	sadd.s32 @!p0 s4, s17  }
0x14: {  	[sflag:s11] =	ssyncadd.s32 $0xFFFFF380;
	s16 =	simm.s32 @!p1 $0x0;
	s17 =	sshrl.u32 @!p0 s17, $0x3  }
0x15: {  	s19 =	simm.s32 @!p0 $0x0;
	s18 =	ssub.s32 @!p0 $0x1080, s16;
	s17 =	sadd.s32 @!p0 s2, s17  }
0x16: {  	[tilespmem:s18], [sflag:$0x1] =	stream.linear.gather @!p0 [hbm4b:s17+s19], $0xC80, $0x38;
	[tilespmem:$0x1AD00] =	vst v63  }
0x17: {  	s16 =	sadd.s32 $0x420, s16;
	s17 =	simm.s32 $0x0;
	s18 =	simm.s32 $0x0  }
.LBB2_4:
0x18: {  	s19 =	sadd.s32 s15, s18  }
0x19: {  	p0 =	slt.u32 s19, $0x2  }
0x1a: {  	s20 =	simm.s32 @!p0 $0x2  }
0x1b: {  	_ =	swait.ge @!p0 [sflag:s20], $0xC800  }
0x1c: {  	[sflag:s20] =	ssyncset.done @!p0 $0x0  }
0x1d: {  	[sflag:s20] =	ssyncadd.s32 @!p0 $0xFFFF3800  }
0x1e: {  	v1 =	vld [tilespmem:s16+$0x20];
	_ =	sdelay $0x3  }
0x1f: {  	v2 =	vld [tilespmem:s16+$0xFFFFFFF0]  }
0x20: {  	v1 =	vshll.u32 v1, $0x3  }
0x21: {  	v5 =	vand.u32 $0x3F8, v1  }
0x22: {  	v1 =	vld [tilespmem:s16+$0xFFFFFFE0]  }
0x23: {  	s25 =	simm.s32 $0x40;
	v3 =	vld [tilespmem:s16+$0x0]  }
0x24: {  	v6 =	vmov s25;
	v2 =	vshll.u32 v2, $0x3  }
0x25: {  	v4 =	vld [tilespmem:s16+$0x10];
	v10 =	vand.u32 $0x3F8, v2;
	v2 =	vshll.u32 v6, $0x7  }
0x26: {  	v2 =	vor.u32 v61, v2;
	v45 =	vld.idx.msk [tilespmem:v5+s3+$0x0], $0xffff  }
0x27: {  	v7 =	vor.u32 $0x1, v5;
	v1 =	vshll.u32 v1, $0x3  }
0x28: {  	s26 =	simm.s32 $0x10;
	s21 =	sand.u32 $0x1, s18;
	v3 =	vshll.u32 v3, $0x3;
	v17 =	vand.u32 $0x3F8, v1  }
0x29: {  	p0 =	seq.s32 s21, $0x1;
	s20 =	simm.s32 $0xE500;
	v13 =	vand.u32 $0x3F8, v3;
	v1 =	vmov s26  }
0x2a: {  	v8 =	vmov s17;
	s20 =	simm.s32 @!p0 $0x1D00;
	v3 =	vshll.u32 v4, $0x3;
	v4 =	vshll.u32 v1, $0x7  }
0x2b: {  	s28 =	simm.s32 $0x20;
	v8 =	vshll.u32 v8, $0x7;
	v11 =	vld.idx.msk [tilespmem:v10+s3+$0x0], $0xffff;
	v1 =	vand.u32 $0x3F8, v3;
	v4 =	vor.u32 v61, v4;
	[tilespmem:v2+s20+$0x0] =	vst.idx.msk $0xffff, v45  }
0x2c: {  	v12 =	vor.u32 $0x1, v10;
	v14 =	vor.u32 $0x1, v2;
	v3 =	vmov s28;
	v7 =	vld.idx.msk [tilespmem:v7+s3+$0x0], $0xffff  }
0x2d: {  	s22 =	simm.s32 $0x30;
	v16 =	vor.u32 $0x2, v5;
	v9 =	vshll.u32 v3, $0x7;
	v3 =	vor.u32 v61, v8;
	v15 =	vld.idx.msk [tilespmem:v17+s3+$0x0], $0xffff  }
0x2e: {  	v46 =	vmov s22;
	v18 =	vld.idx.msk [tilespmem:v13+s3+$0x0], $0xffff;
	v19 =	vor.u32 $0x1, v17;
	v9 =	vor.u32 v61, v9  }
0x2f: {  	v6 =	vshll.u32 v46, $0x7;
	v47 =	vor.u32 $0x1, v13  }
0x30: {  	v8 =	vor.u32 v61, v6;
	v20 =	vld.idx.msk [tilespmem:v1+s3+$0x0], $0xffff;
	[tilespmem:v4+s20+$0x0] =	vst.idx.msk $0xffff, v11  }
0x31: {  	v21 =	vor.u32 $0x1, v1;
	v11 =	vor.u32 $0x1, v4;
	v12 =	vld.idx.msk [tilespmem:v12+s3+$0x0], $0xffff;
	[tilespmem:v14+s20+$0x0] =	vst.idx.msk $0xffff, v7  }
0x32: {  	v22 =	vor.u32 $0x2, v10;
	[tilespmem:v3+s20+$0x0] =	vst.idx.msk $0xffff, v15;
	v14 =	vor.u32 $0x2, v2;
	v7 =	vld.idx.msk [tilespmem:v16+s3+$0x0], $0xffff  }
0x33: {  	[tilespmem:v9+s20+$0x0] =	vst.idx.msk $0xffff, v18;
	v18 =	vor.u32 $0x3, v5;
	v15 =	vor.u32 $0x1, v3;
	v16 =	vld.idx.msk [tilespmem:v19+s3+$0x0], $0xffff  }
0x34: {  	v23 =	vor.u32 $0x2, v17;
	v6 =	vld.idx.msk [tilespmem:v47+s3+$0x0], $0xffff;
	v19 =	vor.u32 $0x1, v9  }
0x35: {  	v24 =	vor.u32 $0x2, v13;
	[tilespmem:v8+s20+$0x0] =	vst.idx.msk $0xffff, v20  }
0x36: {  	v20 =	vor.u32 $0x1, v8;
	v21 =	vld.idx.msk [tilespmem:v21+s3+$0x0], $0xffff;
	[tilespmem:v11+s20+$0x0] =	vst.idx.msk $0xffff, v12  }
0x37: {  	v11 =	vor.u32 $0x2, v4;
	v12 =	vor.u32 $0x2, v1;
	v22 =	vld.idx.msk [tilespmem:v22+s3+$0x0], $0xffff;
	[tilespmem:v14+s20+$0x0] =	vst.idx.msk $0xffff, v7  }
0x38: {  	v25 =	vor.u32 $0x3, v10;
	[tilespmem:v15+s20+$0x0] =	vst.idx.msk $0xffff, v16;
	v14 =	vor.u32 $0x3, v2;
	v7 =	vld.idx.msk [tilespmem:v18+s3+$0x0], $0xffff  }
0x39: {  	v48 =	vor.u32 $0x4, v5;
	v15 =	vor.u32 $0x2, v3;
	[tilespmem:v19+s20+$0x0] =	vst.idx.msk $0xffff, v6;
	v16 =	vld.idx.msk [tilespmem:v23+s3+$0x0], $0xffff  }
0x3a: {  	v19 =	vor.u32 $0x3, v17;
	v18 =	vor.u32 $0x2, v9;
	v23 =	vld.idx.msk [tilespmem:v24+s3+$0x0], $0xffff  }
0x3b: {  	[tilespmem:v20+s20+$0x0] =	vst.idx.msk $0xffff, v21;
	v21 =	vor.u32 $0x3, v13  }
0x3c: {  	v20 =	vor.u32 $0x2, v8;
	v12 =	vld.idx.msk [tilespmem:v12+s3+$0x0], $0xffff;
	[tilespmem:v11+s20+$0x0] =	vst.idx.msk $0xffff, v22  }
0x3d: {  	v22 =	vor.u32 $0x3, v1;
	v24 =	vld.idx.msk [tilespmem:v25+s3+$0x0], $0xffff;
	[tilespmem:v14+s20+$0x0] =	vst.idx.msk $0xffff, v7  }
0x3e: {  	v11 =	vor.u32 $0x3, v4;
	[tilespmem:v15+s20+$0x0] =	vst.idx.msk $0xffff, v16;
	v6 =	vld.idx.msk [tilespmem:v48+s3+$0x0], $0xffff  }
0x3f: {  	v49 =	vor.u32 $0x4, v2;
	v25 =	vor.u32 $0x4, v10;
	[tilespmem:v18+s20+$0x0] =	vst.idx.msk $0xffff, v23;
	v14 =	vld.idx.msk [tilespmem:v19+s3+$0x0], $0xffff  }
0x40: {  	s29 =	sadd.s32 $0x50, s16;
	v15 =	vor.u32 $0x5, v5;
	v16 =	vld.idx.msk [tilespmem:v21+s3+$0x0], $0xffff  }
0x41: {  	[tilespmem:v20+s20+$0x0] =	vst.idx.msk $0xffff, v12;
	v12 =	vor.u32 $0x3, v3;
	v19 =	vld [tilespmem:s29+$0x20]  }
0x42: {  	v50 =	vor.u32 $0x3, v9;
	v18 =	vld.idx.msk [tilespmem:v22+s3+$0x0], $0xffff  }
0x43: {  	v22 =	vld [tilespmem:s29+$0xFFFFFFF0];
	[tilespmem:v11+s20+$0x0] =	vst.idx.msk $0xffff, v24  }
0x44: {  	v11 =	vor.u32 $0x4, v17;
	v20 =	vld.idx.msk [tilespmem:v25+s3+$0x0], $0xffff;
	[tilespmem:v49+s20+$0x0] =	vst.idx.msk $0xffff, v6  }
0x45: {  	v21 =	vor.u32 $0x4, v13;
	v7 =	vld.idx.msk [tilespmem:v15+s3+$0x0], $0xffff;
	v15 =	vor.u32 $0x3, v8  }
0x46: {  	v23 =	vor.u32 $0x4, v1;
	[tilespmem:v12+s20+$0x0] =	vst.idx.msk $0xffff, v14;
	v12 =	vor.u32 $0x5, v2;
	v14 =	vld [tilespmem:s29+$0x0]  }
0x47: {  	v26 =	vor.u32 $0x4, v4;
	v25 =	vor.u32 $0x6, v5;
	[tilespmem:v50+s20+$0x0] =	vst.idx.msk $0xffff, v16;
	v16 =	vld [tilespmem:s29+$0x10]  }
0x48: {  	v28 =	vld [tilespmem:s29+$0xFFFFFFE0];
	v29 =	vor.u32 $0x5, v10;
	v51 =	vshll.u32 v19, $0x3  }
0x49: {  	v24 =	vor.u32 $0x4, v3;
	v19 =	vand.u32 $0x3F8, v51;
	v11 =	vld.idx.msk [tilespmem:v11+s3+$0x0], $0xffff  }
0x4a: {  	v27 =	vor.u32 $0x5, v17;
	v52 =	vshll.u32 v22, $0x3;
	[tilespmem:v15+s20+$0x0] =	vst.idx.msk $0xffff, v18;
	v15 =	vld.idx.msk [tilespmem:v21+s3+$0x0], $0xffff  }
0x4b: {  	v6 =	vand.u32 $0x3F8, v52;
	v53 =	vshll.u32 v14, $0x3;
	[tilespmem:v12+s20+$0x0] =	vst.idx.msk $0xffff, v7;
	v21 =	vld.idx.msk [tilespmem:v23+s3+$0x0], $0xffff  }
0x4c: {  	[tilespmem:v26+s20+$0x0] =	vst.idx.msk $0xffff, v20;
	v20 =	vor.u32 $0x7, v5;
	v5 =	vshll.u32 v16, $0x3;
	v7 =	vand.u32 $0x3F8, v53;
	v12 =	vld.idx.msk [tilespmem:v25+s3+$0x0], $0xffff  }
0x4d: {  	s30 =	simm.s32 $0x90;
	v14 =	vor.u32 $0x6, v2;
	v5 =	vand.u32 $0x3F8, v5;
	v23 =	vld.idx.msk [tilespmem:v29+s3+$0x0], $0xffff  }
0x4e: {  	v18 =	vmov s30;
	[tilespmem:v24+s20+$0x0] =	vst.idx.msk $0xffff, v11;
	v24 =	vor.u32 $0x4, v9;
	v25 =	vld.idx.msk [tilespmem:v19+s3+$0x0], $0xffff  }
0x4f: {  	v11 =	vshll.u32 v28, $0x3;
	v16 =	vshll.u32 v18, $0x7;
	v22 =	vld.idx.msk [tilespmem:v27+s3+$0x0], $0xffff;
	v27 =	vor.u32 $0x5, v13  }
0x50: {  	s31 =	simm.s32 $0x60;
	v28 =	vld.idx.msk [tilespmem:v6+s3+$0x0], $0xffff;
	v11 =	vand.u32 $0x3F8, v11;
	v18 =	vor.u32 v61, v16  }
0x51: {  	v26 =	vor.u32 $0x4, v8;
	v29 =	vor.u32 $0x1, v19;
	v16 =	vmov s31;
	v32 =	vld.idx.msk [tilespmem:v7+s3+$0x0], $0xffff  }
0x52: {  	v30 =	vor.u32 $0x5, v1;
	v31 =	vor.u32 $0x5, v3;
	v36 =	vld.idx.msk [tilespmem:v5+s3+$0x0], $0xffff;
	[tilespmem:v14+s20+$0x0] =	vst.idx.msk $0xffff, v12;
	v14 =	vshll.u32 v16, $0x7  }
0x53: {  	s23 =	simm.s32 $0x50;
	v33 =	vor.u32 $0x6, v17;
	[tilespmem:v24+s20+$0x0] =	vst.idx.msk $0xffff, v15;
	v20 =	vld.idx.msk [tilespmem:v20+s3+$0x0], $0xffff;
	v14 =	vor.u32 v61, v14  }
0x54: {  	s24 =	simm.s32 $0x70;
	v54 =	vor.u32 $0x5, v9;
	v12 =	vmov s23;
	v27 =	vld.idx.msk [tilespmem:v27+s3+$0x0], $0xffff  }
0x55: {  	v35 =	vor.u32 $0x1, v6;
	v16 =	vmov s24;
	v12 =	vshll.u32 v12, $0x7;
	v34 =	vld.idx.msk [tilespmem:v11+s3+$0x0], $0xffff;
	[tilespmem:v18+s20+$0x0] =	vst.idx.msk $0xffff, v25  }
0x56: {  	s25 =	simm.s32 $0x80;
	v56 =	vor.u32 $0x6, v13;
	[tilespmem:v26+s20+$0x0] =	vst.idx.msk $0xffff, v21;
	v16 =	vshll.u32 v16, $0x7;
	v12 =	vor.u32 v61, v12;
	v25 =	vld.idx.msk [tilespmem:v29+s3+$0x0], $0xffff  }
0x57: {  	v15 =	vmov s25;
	v24 =	vor.u32 $0x1, v11;
	[tilespmem:v31+s20+$0x0] =	vst.idx.msk $0xffff, v22;
	v16 =	vor.u32 v61, v16;
	v29 =	vld.idx.msk [tilespmem:v30+s3+$0x0], $0xffff  }
0x58: {  	s26 =	sadd.s32 $0x50, s29;
	v21 =	vor.u32 $0x1, v7;
	v26 =	vor.u32 $0x1, v18;
	v15 =	vshll.u32 v15, $0x7;
	[tilespmem:v14+s20+$0x0] =	vst.idx.msk $0xffff, v28;
	v28 =	vld.idx.msk [tilespmem:v33+s3+$0x0], $0xffff  }
0x59: {  	v22 =	vor.u32 $0x2, v19;
	v15 =	vor.u32 v61, v15;
	[tilespmem:v54+s20+$0x0] =	vst.idx.msk $0xffff, v27;
	v54 =	vld [tilespmem:s26+$0x10]  }
0x5a: {  	v31 =	vor.u32 $0x1, v5;
	v30 =	vor.u32 $0x5, v4;
	v55 =	vld.idx.msk [tilespmem:v35+s3+$0x0], $0xffff  }
0x5b: {  	v37 =	vor.u32 $0x6, v10;
	v60 =	vor.u32 $0x5, v8;
	[tilespmem:v12+s20+$0x0] =	vst.idx.msk $0xffff, v34;
	v62 =	vld.idx.msk [tilespmem:v56+s3+$0x0], $0xffff  }
0x5c: {  	v63 =	vor.u32 $0x6, v1;
	v41 =	vor.u32 $0x6, v3;
	[tilespmem:v16+s20+$0x0] =	vst.idx.msk $0xffff, v32;
	v24 =	vld.idx.msk [tilespmem:v24+s3+$0x0], $0xffff  }
0x5d: {  	v17 =	vor.u32 $0x7, v17;
	v38 =	vor.u32 $0x1, v14;
	[tilespmem:v26+s20+$0x0] =	vst.idx.msk $0xffff, v25;
	v21 =	vld.idx.msk [tilespmem:v21+s3+$0x0], $0xffff  }
0x5e: {  	v39 =	vor.u32 $0x2, v6;
	v57 =	vor.u32 $0x1, v12;
	[tilespmem:v15+s20+$0x0] =	vst.idx.msk $0xffff, v36;
	v22 =	vld.idx.msk [tilespmem:v22+s3+$0x0], $0xffff  }
0x5f: {  	v25 =	vor.u32 $0x1, v16;
	v26 =	vor.u32 $0x2, v11;
	[tilespmem:v30+s20+$0x0] =	vst.idx.msk $0xffff, v23;
	v30 =	vld.idx.msk [tilespmem:v31+s3+$0x0], $0xffff  }
0x60: {  	v23 =	vor.u32 $0x2, v7;
	[tilespmem:v60+s20+$0x0] =	vst.idx.msk $0xffff, v29;
	v31 =	vor.u32 $0x2, v18;
	v59 =	vld.idx.msk [tilespmem:v37+s3+$0x0], $0xffff  }
0x61: {  	v58 =	vor.u32 $0x1, v15;
	v27 =	vor.u32 $0x3, v19;
	v35 =	vld.idx.msk [tilespmem:v63+s3+$0x0], $0xffff;
	[tilespmem:v41+s20+$0x0] =	vst.idx.msk $0xffff, v28  }
0x62: {  	v45 =	vor.u32 $0x6, v4;
	v40 =	vor.u32 $0x2, v5;
	[tilespmem:v38+s20+$0x0] =	vst.idx.msk $0xffff, v55;
	v17 =	vld.idx.msk [tilespmem:v17+s3+$0x0], $0xffff  }
0x63: {  	v10 =	vor.u32 $0x7, v10;
	v42 =	vor.u32 $0x2, v14;
	[tilespmem:v57+s20+$0x0] =	vst.idx.msk $0xffff, v24;
	v24 =	vld.idx.msk [tilespmem:v39+s3+$0x0], $0xffff  }
0x64: {  	[tilespmem:v25+s20+$0x0] =	vst.idx.msk $0xffff, v21;
	v21 =	vor.u32 $0x2, v12;
	v25 =	vor.u32 $0x3, v6;
	v26 =	vld.idx.msk [tilespmem:v26+s3+$0x0], $0xffff  }
0x65: {  	[tilespmem:v31+s20+$0x0] =	vst.idx.msk $0xffff, v22;
	v22 =	vor.u32 $0x2, v16;
	v31 =	vor.u32 $0x3, v11;
	v23 =	vld.idx.msk [tilespmem:v23+s3+$0x0], $0xffff  }
0x66: {  	v43 =	vor.u32 $0x3, v18;
	[tilespmem:v58+s20+$0x0] =	vst.idx.msk $0xffff, v30;
	v30 =	vor.u32 $0x3, v7;
	v27 =	vld.idx.msk [tilespmem:v27+s3+$0x0], $0xffff  }
0x67: {  	v44 =	vor.u32 $0x2, v15;
	v28 =	vor.u32 $0x4, v19;
	[tilespmem:v45+s20+$0x0] =	vst.idx.msk $0xffff, v59;
	v29 =	vld.idx.msk [tilespmem:v40+s3+$0x0], $0xffff  }
0x68: {  	v46 =	vor.u32 $0x3, v5;
	v10 =	vld.idx.msk [tilespmem:v10+s3+$0x0], $0xffff;
	[tilespmem:v42+s20+$0x0] =	vst.idx.msk $0xffff, v24;
	v24 =	vor.u32 $0x6, v9  }
0x69: {  	v13 =	vor.u32 $0x7, v13;
	[tilespmem:v21+s20+$0x0] =	vst.idx.msk $0xffff, v26;
	v21 =	vld.idx.msk [tilespmem:v25+s3+$0x0], $0xffff;
	v25 =	vor.u32 $0x3, v14  }
0x6a: {  	[tilespmem:v22+s20+$0x0] =	vst.idx.msk $0xffff, v23;
	v22 =	vor.u32 $0x3, v12;
	v23 =	vor.u32 $0x4, v6;
	v26 =	vld.idx.msk [tilespmem:v31+s3+$0x0], $0xffff  }
0x6b: {  	v2 =	vor.u32 $0x7, v2;
	[tilespmem:v43+s20+$0x0] =	vst.idx.msk $0xffff, v27;
	v30 =	vld.idx.msk [tilespmem:v30+s3+$0x0], $0xffff  }
0x6c: {  	v27 =	vor.u32 $0x4, v11;
	[tilespmem:v44+s20+$0x0] =	vst.idx.msk $0xffff, v29;
	v28 =	vld.idx.msk [tilespmem:v28+s3+$0x0], $0xffff;
	v31 =	vor.u32 $0x4, v18  }
0x6d: {  	v3 =	vor.u32 $0x7, v3;
	v29 =	vld.idx.msk [tilespmem:v46+s3+$0x0], $0xffff;
	[tilespmem:v24+s20+$0x0] =	vst.idx.msk $0xffff, v62  }
0x6e: {  	v4 =	vor.u32 $0x7, v4;
	v24 =	vor.u32 $0x5, v19;
	[tilespmem:v25+s20+$0x0] =	vst.idx.msk $0xffff, v21;
	v21 =	vld.idx.msk [tilespmem:v13+s3+$0x0], $0xffff  }
0x6f: {  	[tilespmem:v22+s20+$0x0] =	vst.idx.msk $0xffff, v26;
	v22 =	vld.idx.msk [tilespmem:v23+s3+$0x0], $0xffff;
	v23 =	vor.u32 $0x3, v16  }
0x70: {  	[tilespmem:v2+s20+$0x0] =	vst.idx.msk $0xffff, v20;
	v25 =	vld [tilespmem:s26+$0x20];
	v26 =	vor.u32 $0x6, v8  }
0x71: {  	[tilespmem:v31+s20+$0x0] =	vst.idx.msk $0xffff, v28;
	v28 =	vor.u32 $0x4, v7;
	v13 =	vld.idx.msk [tilespmem:v27+s3+$0x0], $0xffff;
	v27 =	vor.u32 $0x3, v15  }
0x72: {  	v47 =	vld [tilespmem:s26+$0xFFFFFFF0];
	v52 =	vor.u32 $0x7, v1;
	v49 =	vor.u32 $0x4, v12;
	[tilespmem:v3+s20+$0x0] =	vst.idx.msk $0xffff, v17  }
0x73: {  	v48 =	vor.u32 $0x5, v18;
	[tilespmem:v4+s20+$0x0] =	vst.idx.msk $0xffff, v10;
	v31 =	vor.u32 $0x4, v5;
	v24 =	vld.idx.msk [tilespmem:v24+s3+$0x0], $0xffff  }
0x74: {  	v50 =	vld [tilespmem:s26+$0x0];
	v51 =	vor.u32 $0x6, v19;
	v20 =	vor.u32 $0x4, v14;
	[tilespmem:v23+s20+$0x0] =	vst.idx.msk $0xffff, v30  }
0x75: {  	v53 =	vor.u32 $0x5, v11;
	v41 =	vor.u32 $0x5, v6;
	v3 =	vshll.u32 v54, $0x3;
	v23 =	vld [tilespmem:s26+$0xFFFFFFE0];
	[tilespmem:v26+s20+$0x0] =	vst.idx.msk $0xffff, v35  }
0x76: {  	v9 =	vor.u32 $0x7, v9;
	v62 =	vor.u32 $0x7, v8;
	v2 =	vshll.u32 v25, $0x3;
	[tilespmem:v27+s20+$0x0] =	vst.idx.msk $0xffff, v29;
	v25 =	vld.idx.msk [tilespmem:v28+s3+$0x0], $0xffff  }
0x77: {  	v8 =	vor.u32 $0x4, v16;
	v2 =	vand.u32 $0x3F8, v2;
	v29 =	vshll.u32 v47, $0x3;
	[tilespmem:v49+s20+$0x0] =	vst.idx.msk $0xffff, v13;
	v63 =	vld.idx.msk [tilespmem:v52+s3+$0x0], $0xffff  }
0x78: {  	v37 =	vand.u32 $0x3F8, v3;
	v27 =	vor.u32 $0x4, v15;
	v30 =	vld.idx.msk [tilespmem:v31+s3+$0x0], $0xffff;
	v13 =	vand.u32 $0x3F8, v29;
	[tilespmem:v48+s20+$0x0] =	vst.idx.msk $0xffff, v24  }
0x79: {  	s28 =	simm.s32 $0xE0;
	v10 =	vor.u32 $0x5, v12;
	v19 =	vor.u32 $0x7, v19;
	[tilespmem:v20+s20+$0x0] =	vst.idx.msk $0xffff, v22;
	v22 =	vor.u32 $0x6, v18;
	v31 =	vld.idx.msk [tilespmem:v51+s3+$0x0], $0xffff  }
0x7a: {  	v26 =	vmov s28;
	v29 =	vshll.u32 v50, $0x3;
	v20 =	vld.idx.msk [tilespmem:v53+s3+$0x0], $0xffff;
	v23 =	vshll.u32 v23, $0x3  }
0x7b: {  	s29 =	simm.s32 $0xB0;
	[tilespmem:v9+s20+$0x0] =	vst.idx.msk $0xffff, v21;
	v36 =	vand.u32 $0x3F8, v29;
	v29 =	vld.idx.msk [tilespmem:v41+s3+$0x0], $0xffff;
	v17 =	vand.u32 $0x3F8, v23;
	v23 =	vshll.u32 v26, $0x7  }
0x7c: {  	v57 =	vor.u32 $0x6, v11;
	v9 =	vmov s29;
	v26 =	vld.idx.msk [tilespmem:v2+s3+$0x0], $0xffff;
	[tilespmem:v8+s20+$0x0] =	vst.idx.msk $0xffff, v25;
	v3 =	vor.u32 v61, v23  }
0x7d: {  	s21 =	simm.s32 $0xA0;
	v9 =	vshll.u32 v9, $0x7;
	v24 =	vor.u32 $0x5, v14;
	v21 =	vld.idx.msk [tilespmem:v13+s3+$0x0], $0xffff;
	v23 =	vor.u32 $0x1, v2;
	[tilespmem:v27+s20+$0x0] =	vst.idx.msk $0xffff, v30  }
0x7e: {  	s30 =	simm.s32 $0xC0;
	v28 =	vor.u32 $0x5, v7;
	v38 =	vor.u32 v61, v9;
	v8 =	vmov s21;
	v27 =	vld.idx.msk [tilespmem:v37+s3+$0x0], $0xffff;
	[tilespmem:v22+s20+$0x0] =	vst.idx.msk $0xffff, v31  }
0x7f: {  	v18 =	vor.u32 $0x7, v18;
	v8 =	vshll.u32 v8, $0x7;
	v9 =	vld.idx.msk [tilespmem:v19+s3+$0x0], $0xffff;
	v19 =	vmov s30  }
0x80: {  	s31 =	simm.s32 $0xD0;
	v56 =	vor.u32 $0x5, v5;
	[tilespmem:v10+s20+$0x0] =	vst.idx.msk $0xffff, v20;
	v39 =	vor.u32 v61, v8;
	v25 =	vld.idx.msk [tilespmem:v17+s3+$0x0], $0xffff;
	v19 =	vshll.u32 v19, $0x7  }
0x81: {  	v59 =	vld.idx.msk [tilespmem:v36+s3+$0x0], $0xffff;
	v8 =	vor.u32 $0x1, v13;
	[tilespmem:v3+s20+$0x0] =	vst.idx.msk $0xffff, v26;
	v26 =	vmov s31;
	v46 =	vor.u32 v61, v19  }
0x82: {  	[tilespmem:v24+s20+$0x0] =	vst.idx.msk $0xffff, v29;
	v19 =	vor.u32 $0x1, v17;
	v23 =	vld.idx.msk [tilespmem:v23+s3+$0x0], $0xffff;
	v10 =	vshll.u32 v26, $0x7;
	v26 =	vor.u32 $0x1, v3  }
0x83: {  	v20 =	vor.u32 $0x1, v36;
	v24 =	vld.idx.msk [tilespmem:v28+s3+$0x0], $0xffff;
	[tilespmem:v38+s20+$0x0] =	vst.idx.msk $0xffff, v21  }
0x84: {  	v33 =	vld.idx.msk [tilespmem:v57+s3+$0x0], $0xffff;
	v47 =	vor.u32 v61, v10;
	[tilespmem:v18+s20+$0x0] =	vst.idx.msk $0xffff, v9  }
0x85: {  	v21 =	vld.idx.msk [tilespmem:v56+s3+$0x0], $0xffff;
	v10 =	vor.u32 $0x2, v2;
	[tilespmem:v39+s20+$0x0] =	vst.idx.msk $0xffff, v25  }
0x86: {  	v55 =	vor.u32 $0x5, v16;
	v25 =	vld.idx.msk [tilespmem:v8+s3+$0x0], $0xffff;
	[tilespmem:v46+s20+$0x0] =	vst.idx.msk $0xffff, v59  }
0x87: {  	v0 =	vor.u32 $0x7, v14;
	v1 =	vor.u32 $0x7, v12;
	v31 =	vor.u32 $0x1, v37;
	v19 =	vld.idx.msk [tilespmem:v19+s3+$0x0], $0xffff;
	[tilespmem:v26+s20+$0x0] =	vst.idx.msk $0xffff, v23  }
0x88: {  	v58 =	vor.u32 $0x5, v15;
	v43 =	vor.u32 $0x6, v15;
	v60 =	vor.u32 $0x1, v38;
	v20 =	vld.idx.msk [tilespmem:v20+s3+$0x0], $0xffff;
	[tilespmem:$0x1FFC0] =	vst v0  }
0x89: {  	v48 =	vor.u32 $0x7, v6;
	v22 =	vor.u32 $0x6, v6;
	v0 =	vor.u32 $0x7, v16;
	[tilespmem:v47+s20+$0x0] =	vst.idx.msk $0xffff, v27  }
0x8a: {  	v42 =	vor.u32 $0x2, v13;
	v28 =	vor.u32 $0x6, v7;
	v6 =	vor.u32 $0x1, v39;
	v10 =	vld.idx.msk [tilespmem:v10+s3+$0x0], $0xffff;
	[tilespmem:$0x1FFD0] =	vst v0  }
0x8b: {  	v30 =	vor.u32 $0x6, v14;
	v14 =	vor.u32 $0x1, v46;
	v0 =	vor.u32 $0x7, v5;
	[tilespmem:v55+s20+$0x0] =	vst.idx.msk $0xffff, v24  }
0x8c: {  	v11 =	vor.u32 $0x7, v11;
	v18 =	vor.u32 $0x6, v12;
	v23 =	vor.u32 $0x2, v17;
	v26 =	vld.idx.msk [tilespmem:v31+s3+$0x0], $0xffff;
	[tilespmem:$0x1FFE0] =	vst v0  }
0x8d: {  	v41 =	vor.u32 $0x6, v16;
	v16 =	vor.u32 $0x2, v36;
	v27 =	vor.u32 $0x2, v3;
	[tilespmem:v58+s20+$0x0] =	vst.idx.msk $0xffff, v21  }
0x8e: {  	v32 =	vor.u32 $0x4, v37;
	v24 =	vor.u32 $0x1, v47;
	v31 =	vor.u32 $0x3, v2;
	v22 =	vld.idx.msk [tilespmem:v22+s3+$0x0], $0xffff;
	[tilespmem:v60+s20+$0x0] =	vst.idx.msk $0xffff, v25  }
0x8f: {  	v49 =	vor.u32 $0x7, v7;
	v9 =	vor.u32 $0x7, v15;
	v12 =	vor.u32 $0x2, v37;
	v15 =	vld.idx.msk [tilespmem:v28+s3+$0x0], $0xffff;
	[tilespmem:v6+s20+$0x0] =	vst.idx.msk $0xffff, v19  }
0x90: {  	v40 =	vor.u32 $0x7, v38;
	v29 =	vor.u32 $0x6, v5;
	v21 =	vor.u32 $0x2, v38;
	[tilespmem:v14+s20+$0x0] =	vst.idx.msk $0xffff, v20;
	v19 =	vld.idx.msk [tilespmem:v42+s3+$0x0], $0xffff  }
0x91: {  	v50 =	vor.u32 $0x3, v13;
	v51 =	vor.u32 $0x3, v38;
	v25 =	vor.u32 $0x2, v39;
	[tilespmem:v18+s20+$0x0] =	vst.idx.msk $0xffff, v33;
	v23 =	vld.idx.msk [tilespmem:v23+s3+$0x0], $0xffff  }
0x92: {  	v45 =	vor.u32 $0x3, v17;
	v54 =	vor.u32 $0x4, v17;
	v44 =	vor.u32 $0x2, v46;
	v16 =	vld.idx.msk [tilespmem:v16+s3+$0x0], $0xffff;
	[tilespmem:v27+s20+$0x0] =	vst.idx.msk $0xffff, v10  }
0x93: {  	v57 =	vor.u32 $0x4, v2;
	v53 =	vor.u32 $0x3, v39;
	v56 =	vor.u32 $0x3, v3;
	[tilespmem:v24+s20+$0x0] =	vst.idx.msk $0xffff, v26;
	v20 =	vld.idx.msk [tilespmem:v31+s3+$0x0], $0xffff  }
0x94: {  	v35 =	vor.u32 $0x4, v39;
	v7 =	vor.u32 $0x2, v47;
	v14 =	vor.u32 $0x3, v36;
	v12 =	vld.idx.msk [tilespmem:v12+s3+$0x0], $0xffff;
	[tilespmem:v30+s20+$0x0] =	vst.idx.msk $0xffff, v22  }
0x95: {  	v52 =	vor.u32 $0x3, v46;
	v34 =	vor.u32 $0x3, v47;
	v55 =	vor.u32 $0x4, v13;
	v58 =	vld.idx.msk [tilespmem:v29+s3+$0x0], $0xffff;
	[tilespmem:v21+s20+$0x0] =	vst.idx.msk $0xffff, v19  }
0x96: {  	v0 =	vor.u32 $0x6, v37;
	v33 =	vor.u32 $0x4, v38;
	v10 =	vor.u32 $0x3, v37;
	v42 =	vld.idx.msk [tilespmem:v11+s3+$0x0], $0xffff;
	[tilespmem:v25+s20+$0x0] =	vst.idx.msk $0xffff, v23  }
0x97: {  	v28 =	vor.u32 $0x4, v46;
	v18 =	vor.u32 $0x5, v46;
	v27 =	vor.u32 $0x4, v47;
	[tilespmem:v44+s20+$0x0] =	vst.idx.msk $0xffff, v16;
	v50 =	vld.idx.msk [tilespmem:v50+s3+$0x0], $0xffff  }
0x98: {  	v29 =	vor.u32 $0x5, v13;
	v11 =	vor.u32 $0x6, v47;
	v31 =	vor.u32 $0x4, v36;
	v59 =	vld.idx.msk [tilespmem:v45+s3+$0x0], $0xffff;
	[tilespmem:v56+s20+$0x0] =	vst.idx.msk $0xffff, v20  }
0x99: {  	v24 =	vor.u32 $0x5, v36;
	v26 =	vor.u32 $0x5, v39;
	v30 =	vor.u32 $0x5, v17;
	v60 =	vld.idx.msk [tilespmem:v14+s3+$0x0], $0xffff;
	[tilespmem:v7+s20+$0x0] =	vst.idx.msk $0xffff, v12  }
0x9a: {  	v22 =	vor.u32 $0x6, v17;
	v23 =	vor.u32 $0x5, v38;
	v25 =	vor.u32 $0x5, v37;
	v44 =	vld.idx.msk [tilespmem:v57+s3+$0x0], $0xffff;
	[tilespmem:$0x1FFF0] =	vst v0  }
0x9b: {  	v19 =	vor.u32 $0x5, v47;
	v21 =	vor.u32 $0x6, v13;
	v16 =	vor.u32 $0x6, v38;
	[tilespmem:v41+s20+$0x0] =	vst.idx.msk $0xffff, v15;
	v45 =	vld.idx.msk [tilespmem:v10+s3+$0x0], $0xffff  }
0x9c: {  	v38 =	vor.u32 $0x7, v37;
	v37 =	vor.u32 $0x7, v47;
	v14 =	vor.u32 $0x7, v17;
	[tilespmem:v43+s20+$0x0] =	vst.idx.msk $0xffff, v58;
	v43 =	vld.idx.msk [tilespmem:v48+s3+$0x0], $0xffff  }
0x9d: {  	v17 =	vor.u32 $0x7, v13;
	v13 =	vor.u32 $0x7, v36;
	v20 =	vor.u32 $0x6, v36;
	[tilespmem:v51+s20+$0x0] =	vst.idx.msk $0xffff, v50;
	v41 =	vld.idx.msk [tilespmem:v49+s3+$0x0], $0xffff  }
0x9e: {  	v36 =	vor.u32 $0x7, v46;
	v12 =	vor.u32 $0x6, v46;
	v15 =	vor.u32 $0x6, v39;
	[tilespmem:v53+s20+$0x0] =	vst.idx.msk $0xffff, v59;
	v46 =	vld.idx.msk [tilespmem:v55+s3+$0x0], $0xffff  }
0x9f: {  	s22 =	simm.s32 $0xA;
	s23 =	sadd.s32 $0x50, s26;
	v39 =	vor.u32 $0x7, v39;
	v48 =	vor.u32 $0x5, v2;
	[tilespmem:v52+s20+$0x0] =	vst.idx.msk $0xffff, v60;
	v49 =	vor.u32 $0x4, v3;
	v47 =	vld.idx.msk [tilespmem:v54+s3+$0x0], $0xffff  }
.LBB2_5:
0xa0: {  	v0 =	vmov v39  }
0xa1: {  	[tilespmem:$0x1FFA0] =	vst v0;
	v0 =	vld [tilespmem:$0x1FFC0];
	_ =	sdelay $0x7  }
0xa2: {  	v55 =	vld [tilespmem:s23+$0xFFFFFFF0];
	[tilespmem:v0+s20+$0x0] =	vst.idx.msk $0xffff, v43;
	v0 =	vmov v40  }
0xa3: {  	[tilespmem:$0x1FFC0] =	vst v0;
	v0 =	vld [tilespmem:$0x1FFD0]  }
0xa4: {  	v50 =	vld [tilespmem:s23+$0x20];
	[tilespmem:v1+s20+$0x0] =	vst.idx.msk $0xffff, v42  }
0xa5: {  	v60 =	vld [tilespmem:s23+$0xFFFFFFE0]  }
0xa6: {  	v57 =	vld [tilespmem:s23+$0x0]  }
0xa7: {  	v31 =	vld.idx.msk [tilespmem:v31+s3+$0x0], $0xffff;
	[tilespmem:v49+s20+$0x0] =	vst.idx.msk $0xffff, v44  }
0xa8: {  	v56 =	vor.u32 $0x5, v3;
	[tilespmem:v34+s20+$0x0] =	vst.idx.msk $0xffff, v45;
	v54 =	vld.idx.msk [tilespmem:v48+s3+$0x0], $0xffff  }
0xa9: {  	v58 =	vor.u32 $0x6, v2;
	v59 =	vld [tilespmem:s23+$0x10];
	[tilespmem:v33+s20+$0x0] =	vst.idx.msk $0xffff, v46;
	v46 =	vshll.u32 v50, $0x3  }
0xaa: {  	[tilespmem:v35+s20+$0x0] =	vst.idx.msk $0xffff, v47;
	v32 =	vld.idx.msk [tilespmem:v32+s3+$0x0], $0xffff;
	v33 =	vshll.u32 v60, $0x3;
	v47 =	vand.u32 $0x3F8, v46  }
0xab: {  	v48 =	vshll.u32 v55, $0x3;
	v30 =	vld.idx.msk [tilespmem:v30+s3+$0x0], $0xffff;
	v40 =	vand.u32 $0x3F8, v33;
	[tilespmem:v0+s20+$0x0] =	vst.idx.msk $0xffff, v41;
	v0 =	vmov v37  }
0xac: {  	v4 =	vmov v36;
	v36 =	vand.u32 $0x3F8, v48;
	[tilespmem:$0x1FF80] =	vst v0;
	v0 =	vld [tilespmem:$0x1FFE0]  }
0xad: {  	s21 =	sadd.s32 $0x50, s21;
	v49 =	vshll.u32 v57, $0x3;
	[tilespmem:v56+s20+$0x0] =	vst.idx.msk $0xffff, v54;
	v29 =	vld.idx.msk [tilespmem:v29+s3+$0x0], $0xffff  }
0xae: {  	v51 =	vor.u32 $0x6, v3;
	s26 =	sadd.s32 $0x40, s21;
	[tilespmem:v62+s20+$0x0] =	vst.idx.msk $0xffff, v63;
	v50 =	vld.idx.msk [tilespmem:v58+s3+$0x0], $0xffff;
	v37 =	vand.u32 $0x3F8, v49  }
0xaf: {  	v53 =	vor.u32 $0x7, v2;
	s25 =	sadd.s32 $0x20, s21;
	v52 =	vmov s26;
	v54 =	vld.idx.msk [tilespmem:v47+s3+$0x0], $0xffff;
	[tilespmem:v28+s20+$0x0] =	vst.idx.msk $0xffff, v31;
	v28 =	vmov s21  }
0xb0: {  	v1 =	vmovc v9;
	[tilespmem:$0x1FFD0] =	vst v4;
	v4 =	vshll.u32 v59, $0x3;
	v56 =	vmov s25;
	v62 =	vld.idx.msk [tilespmem:v40+s3+$0x0], $0xffff;
	v28 =	vshll.u32 v28, $0x7  }
0xb1: {  	[tilespmem:$0x1FF90] =	vst v1;
	v39 =	vand.u32 $0x3F8, v4;
	v4 =	vshll.u32 v52, $0x7;
	v31 =	vld.idx.msk [tilespmem:v36+s3+$0x0], $0xffff;
	v43 =	vor.u32 v61, v28  }
0xb2: {  	v60 =	vshll.u32 v56, $0x7;
	v2 =	vmov v47;
	v57 =	vor.u32 v61, v4;
	[tilespmem:v23+s20+$0x0] =	vst.idx.msk $0xffff, v29;
	v23 =	vld.idx.msk [tilespmem:v24+s3+$0x0], $0xffff  }
0xb3: {  	s24 =	sadd.s32 $0x10, s21;
	v59 =	vor.u32 $0x1, v2;
	[tilespmem:v51+s20+$0x0] =	vst.idx.msk $0xffff, v50;
	v47 =	vor.u32 v61, v60;
	v35 =	vld.idx.msk [tilespmem:v37+s3+$0x0], $0xffff  }
0xb4: {  	v55 =	vmov s24;
	[tilespmem:v26+s20+$0x0] =	vst.idx.msk $0xffff, v30;
	v7 =	vor.u32 $0x1, v37;
	v0 =	vld.idx.msk [tilespmem:v0+s3+$0x0], $0xffff  }
0xb5: {  	[tilespmem:v27+s20+$0x0] =	vst.idx.msk $0xffff, v32;
	v27 =	vshll.u32 v55, $0x7;
	v55 =	vld.idx.msk [tilespmem:v22+s3+$0x0], $0xffff  }
0xb6: {  	v63 =	vor.u32 $0x1, v40;
	[tilespmem:v43+s20+$0x0] =	vst.idx.msk $0xffff, v62;
	v46 =	vor.u32 v61, v27;
	v27 =	vld.idx.msk [tilespmem:v53+s3+$0x0], $0xffff  }
0xb7: {  	s28 =	sadd.s32 $0x30, s21;
	v28 =	vor.u32 $0x7, v3;
	v3 =	vmov v57;
	v48 =	vld.idx.msk [tilespmem:v39+s3+$0x0], $0xffff;
	[tilespmem:v57+s20+$0x0] =	vst.idx.msk $0xffff, v54  }
0xb8: {  	v6 =	vor.u32 $0x1, v36;
	v58 =	vmov s28;
	v30 =	vor.u32 $0x1, v3;
	[tilespmem:v47+s20+$0x0] =	vst.idx.msk $0xffff, v35;
	v45 =	vld.idx.msk [tilespmem:v59+s3+$0x0], $0xffff  }
0xb9: {  	v49 =	vor.u32 $0x1, v47;
	v42 =	vld.idx.msk [tilespmem:v7+s3+$0x0], $0xffff;
	[tilespmem:$0x1FFB0] =	vst v0;
	v0 =	vmov v38;
	v38 =	vshll.u32 v58, $0x7  }
0xba: {  	v29 =	vor.u32 $0x2, v2;
	v25 =	vld.idx.msk [tilespmem:v25+s3+$0x0], $0xffff;
	[tilespmem:v18+s20+$0x0] =	vst.idx.msk $0xffff, v23;
	v41 =	vor.u32 v61, v38  }
0xbb: {  	v26 =	vor.u32 $0x1, v43;
	v53 =	vor.u32 $0x2, v37;
	[tilespmem:v46+s20+$0x0] =	vst.idx.msk $0xffff, v31;
	v38 =	vld.idx.msk [tilespmem:v63+s3+$0x0], $0xffff  }
0xbc: {  	v33 =	vor.u32 $0x1, v39;
	v9 =	vld.idx.msk [tilespmem:v20+s3+$0x0], $0xffff;
	[tilespmem:v28+s20+$0x0] =	vst.idx.msk $0xffff, v27  }
0xbd: {  	v44 =	vor.u32 $0x1, v46;
	v22 =	vld.idx.msk [tilespmem:v6+s3+$0x0], $0xffff;
	[tilespmem:v30+s20+$0x0] =	vst.idx.msk $0xffff, v45  }
0xbe: {  	v51 =	vor.u32 $0x2, v40;
	v8 =	vld.idx.msk [tilespmem:v21+s3+$0x0], $0xffff;
	[tilespmem:v49+s20+$0x0] =	vst.idx.msk $0xffff, v42  }
0xbf: {  	v6 =	vor.u32 $0x2, v3;
	v45 =	vld.idx.msk [tilespmem:v29+s3+$0x0], $0xffff;
	[tilespmem:v41+s20+$0x0] =	vst.idx.msk $0xffff, v48  }
0xc0: {  	v24 =	vor.u32 $0x2, v36;
	v49 =	vld.idx.msk [tilespmem:v53+s3+$0x0], $0xffff;
	[tilespmem:v26+s20+$0x0] =	vst.idx.msk $0xffff, v38  }
0xc1: {  	v57 =	vor.u32 $0x2, v47;
	v48 =	vld.idx.msk [tilespmem:v33+s3+$0x0], $0xffff;
	[tilespmem:v19+s20+$0x0] =	vst.idx.msk $0xffff, v25  }
0xc2: {  	v7 =	vor.u32 $0x3, v2;
	[tilespmem:v44+s20+$0x0] =	vst.idx.msk $0xffff, v22  }
0xc3: {  	v4 =	vor.u32 $0x4, v40;
	v60 =	vor.u32 $0x3, v36;
	v50 =	vor.u32 $0x1, v41;
	v44 =	vld.idx.msk [tilespmem:v51+s3+$0x0], $0xffff;
	[tilespmem:v15+s20+$0x0] =	vst.idx.msk $0xffff, v55  }
0xc4: {  	v10 =	vor.u32 $0x3, v37;
	v56 =	vor.u32 $0x2, v43;
	v1 =	vor.u32 $0x3, v43;
	[tilespmem:v6+s20+$0x0] =	vst.idx.msk $0xffff, v45  }
0xc5: {  	v32 =	vor.u32 $0x4, v39;
	v54 =	vor.u32 $0x2, v39;
	v38 =	vld.idx.msk [tilespmem:v24+s3+$0x0], $0xffff;
	v6 =	vor.u32 $0x6, v39;
	[tilespmem:v16+s20+$0x0] =	vst.idx.msk $0xffff, v8  }
0xc6: {  	v35 =	vor.u32 $0x4, v43;
	v52 =	vor.u32 $0x2, v46;
	v59 =	vor.u32 $0x3, v40;
	v8 =	vld [tilespmem:$0x1FFF0];
	[tilespmem:v57+s20+$0x0] =	vst.idx.msk $0xffff, v49;
	v42 =	vmovc v6  }
0xc7: {  	v62 =	vor.u32 $0x3, v46;
	v23 =	vor.u32 $0x5, v46;
	v20 =	vor.u32 $0x6, v37;
	v7 =	vld.idx.msk [tilespmem:v7+s3+$0x0], $0xffff;
	[tilespmem:$0x1FFF0] =	vst v42  }
0xc8: {  	v63 =	vor.u32 $0x3, v47;
	v31 =	vor.u32 $0x4, v37;
	v58 =	vor.u32 $0x2, v41;
	v42 =	vld.idx.msk [tilespmem:v14+s3+$0x0], $0xffff;
	[tilespmem:v50+s20+$0x0] =	vst.idx.msk $0xffff, v48  }
0xc9: {  	v34 =	vor.u32 $0x3, v41;
	v27 =	vor.u32 $0x4, v41;
	v30 =	vor.u32 $0x5, v40;
	[tilespmem:v56+s20+$0x0] =	vst.idx.msk $0xffff, v44;
	v56 =	vld.idx.msk [tilespmem:v10+s3+$0x0], $0xffff  }
0xca: {  	v53 =	vor.u32 $0x6, v41;
	v33 =	vor.u32 $0x4, v46;
	v22 =	vor.u32 $0x6, v40;
	[tilespmem:v12+s20+$0x0] =	vst.idx.msk $0xffff, v9;
	v9 =	vld [tilespmem:$0x1FF80]  }
0xcb: {  	v19 =	vor.u32 $0x5, v41;
	v51 =	vor.u32 $0x3, v3;
	v24 =	vor.u32 $0x5, v37;
	v50 =	vld.idx.msk [tilespmem:v54+s3+$0x0], $0xffff  }
0xcc: {  	v45 =	vor.u32 $0x6, v46;
	v14 =	vor.u32 $0x7, v40;
	v40 =	vor.u32 $0x7, v46;
	v46 =	vld.idx.msk [tilespmem:v59+s3+$0x0], $0xffff  }
0xcd: {  	v54 =	vor.u32 $0x4, v2;
	[tilespmem:v52+s20+$0x0] =	vst.idx.msk $0xffff, v38;
	v52 =	vor.u32 $0x7, v37;
	v37 =	vor.u32 $0x7, v41;
	v41 =	vld.idx.msk [tilespmem:v13+s3+$0x0], $0xffff  }
0xce: {  	[tilespmem:$0x1FFE0] =	vst v0;
	v0 =	vor.u32 $0x3, v39;
	v26 =	vor.u32 $0x5, v43;
	v25 =	vor.u32 $0x5, v39;
	v60 =	vld.idx.msk [tilespmem:v60+s3+$0x0], $0xffff  }
0xcf: {  	v15 =	vor.u32 $0x6, v43;
	v38 =	vor.u32 $0x7, v39;
	v39 =	vor.u32 $0x7, v43;
	v43 =	vld.idx.msk [tilespmem:v17+s3+$0x0], $0xffff  }
0xd0: {  	[tilespmem:v51+s20+$0x0] =	vst.idx.msk $0xffff, v7;
	v8 =	vld.idx.msk [tilespmem:v8+s3+$0x0], $0xffff  }
0xd1: {  	s22 =	sadd.s32 $0x5, s22;
	[tilespmem:v63+s20+$0x0] =	vst.idx.msk $0xffff, v56;
	v63 =	vld [tilespmem:$0x1FFB0]  }
0xd2: {  	p0 =	slt.u32 s22, $0x14;
	v5 =	vor.u32 $0x4, v36;
	[tilespmem:v58+s20+$0x0] =	vst.idx.msk $0xffff, v50;
	v44 =	vld.idx.msk [tilespmem:v54+s3+$0x0], $0xffff  }
.Ltmp0:
0xd3: {  	[tilespmem:v1+s20+$0x0] =	vst.idx.msk $0xffff, v46;
	v1 =	vld [tilespmem:$0x1FFA0];
	(pc) =	sbr.rel @p0 .LBB2_5-.Ltmp0, $4  }
0xd4: {  	v18 =	vor.u32 $0x5, v47;
	v28 =	vor.u32 $0x4, v47;
	v16 =	vmov v45;
	v45 =	vld.idx.msk [tilespmem:v0+s3+$0x0], $0xffff  }
0xd5: {  	v21 =	vor.u32 $0x6, v36;
	v29 =	vor.u32 $0x5, v36;
	v48 =	vor.u32 $0x6, v47;
	[tilespmem:v62+s20+$0x0] =	vst.idx.msk $0xffff, v60;
	v62 =	vld [tilespmem:$0x1FF90]  }
0xd6: {  	v49 =	vor.u32 $0x4, v3;
	v6 =	vor.u32 $0x7, v36;
	v36 =	vor.u32 $0x7, v47;
	v12 =	vmovc v48;
	v47 =	vld.idx.msk [tilespmem:v4+s3+$0x0], $0xffff  }
0xd7: {  	s23 =	sadd.s32 $0x50, s23;
	v48 =	vor.u32 $0x5, v2;
	v17 =	vmovc v6;
	v13 =	vmov v52;
	v46 =	vld.idx.msk [tilespmem:v5+s3+$0x0], $0xffff;
	[tilespmem:v11+s20+$0x0] =	vst.idx.msk $0xffff, v8;
	v11 =	vmov v53  }
0xd8: {  	_ =	sdelay $0x3  }
0xd9: {  	[tilespmem:v49+s20+$0x0] =	vst.idx.msk $0xffff, v44;
	v0 =	vld.idx.msk [tilespmem:v31+s3+$0x0], $0xffff  }
0xda: {  	[tilespmem:v1+s20+$0x0] =	vst.idx.msk $0xffff, v42  }
0xdb: {  	[tilespmem:v34+s20+$0x0] =	vst.idx.msk $0xffff, v45  }
0xdc: {  	v4 =	vld.idx.msk [tilespmem:v48+s3+$0x0], $0xffff;
	[tilespmem:v35+s20+$0x0] =	vst.idx.msk $0xffff, v47  }
0xdd: {  	v5 =	vor.u32 $0x5, v3;
	v51 =	vld.idx.msk [tilespmem:v32+s3+$0x0], $0xffff;
	[tilespmem:v33+s20+$0x0] =	vst.idx.msk $0xffff, v46  }
0xde: {  	v7 =	vld.idx.msk [tilespmem:v30+s3+$0x0], $0xffff;
	[tilespmem:v28+s20+$0x0] =	vst.idx.msk $0xffff, v0  }
0xdf: {  	v0 =	vld [tilespmem:$0x1FFC0]  }
0xe0: {  	v8 =	vld.idx.msk [tilespmem:v29+s3+$0x0], $0xffff  }
0xe1: {  	v52 =	vld.idx.msk [tilespmem:v24+s3+$0x0], $0xffff  }
0xe2: {  	[tilespmem:v5+s20+$0x0] =	vst.idx.msk $0xffff, v4  }
0xe3: {  	[tilespmem:v27+s20+$0x0] =	vst.idx.msk $0xffff, v51  }
0xe4: {  	[tilespmem:v26+s20+$0x0] =	vst.idx.msk $0xffff, v7  }
0xe5: {  	v6 =	vor.u32 $0x6, v2;
	[tilespmem:v23+s20+$0x0] =	vst.idx.msk $0xffff, v8  }
0xe6: {  	[tilespmem:v18+s20+$0x0] =	vst.idx.msk $0xffff, v52  }
0xe7: {  	[tilespmem:v0+s20+$0x0] =	vst.idx.msk $0xffff, v43  }
0xe8: {  	v7 =	vld [tilespmem:$0x1FFD0]  }
0xe9: {  	v1 =	vld.idx.msk [tilespmem:v25+s3+$0x0], $0xffff  }
0xea: {  	v53 =	vor.u32 $0x6, v3;
	v4 =	vld.idx.msk [tilespmem:v6+s3+$0x0], $0xffff;
	_ =	sdelay $0x2  }
0xeb: {  	v55 =	vld.idx.msk [tilespmem:v22+s3+$0x0], $0xffff  }
0xec: {  	v56 =	vld.idx.msk [tilespmem:v21+s3+$0x0], $0xffff;
	[tilespmem:v19+s20+$0x0] =	vst.idx.msk $0xffff, v1  }
0xed: {  	v57 =	vld.idx.msk [tilespmem:v20+s3+$0x0], $0xffff;
	[tilespmem:v53+s20+$0x0] =	vst.idx.msk $0xffff, v4  }
0xee: {  	[tilespmem:v7+s20+$0x0] =	vst.idx.msk $0xffff, v41  }
0xef: {  	v1 =	vld [tilespmem:$0x1FFF0]  }
0xf0: {  	[tilespmem:v15+s20+$0x0] =	vst.idx.msk $0xffff, v55  }
0xf1: {  	[tilespmem:v16+s20+$0x0] =	vst.idx.msk $0xffff, v56  }
0xf2: {  	[tilespmem:v12+s20+$0x0] =	vst.idx.msk $0xffff, v57  }
0xf3: {  	v54 =	vor.u32 $0x7, v2;
	[tilespmem:v62+s20+$0x0] =	vst.idx.msk $0xffff, v63  }
0xf4: {  	v6 =	vld [tilespmem:$0x1FFE0];
	_ =	sdelay $0x2  }
0xf5: {  	v1 =	vld.idx.msk [tilespmem:v1+s3+$0x0], $0xffff  }
0xf6: {  	v58 =	vor.u32 $0x7, v3;
	v2 =	vld.idx.msk [tilespmem:v54+s3+$0x0], $0xffff  }
0xf7: {  	v59 =	vld.idx.msk [tilespmem:v14+s3+$0x0], $0xffff  }
0xf8: {  	v60 =	vld.idx.msk [tilespmem:v17+s3+$0x0], $0xffff  }
0xf9: {  	v63 =	vld.idx.msk [tilespmem:v13+s3+$0x0], $0xffff  }
0xfa: {  	v6 =	vld.idx.msk [tilespmem:v6+s3+$0x0], $0xffff;
	[tilespmem:v11+s20+$0x0] =	vst.idx.msk $0xffff, v1  }
0xfb: {  	s18 =	sadd.s32 $0x1, s18;
	[tilespmem:v58+s20+$0x0] =	vst.idx.msk $0xffff, v2;
	v1 =	vld.idx.msk [tilespmem:v38+s3+$0x0], $0xffff  }
0xfc: {  	s19 =	smul.u32 $0x190, s19;
	p0 =	seq.s32 s18, $0x8;
	[tilespmem:v39+s20+$0x0] =	vst.idx.msk $0xffff, v59  }
.Ltmp1:
0xfd: {  	[tilespmem:v40+s20+$0x0] =	vst.idx.msk $0xffff, v60;
	(pc) =	sbr.rel @!p0 .LBB2_4-.Ltmp1, $4  }
0xfe: {  	s19 =	sadd.s32 s4, s19;
	[tilespmem:v36+s20+$0x0] =	vst.idx.msk $0xffff, v63  }
0xff: {  	s19 =	sshll.u32 s19, $0x4;
	[tilespmem:v9+s20+$0x0] =	vst.idx.msk $0xffff, v6  }
0x100: {  	s16 =	sadd.s32 $0x190, s16;
	s19 =	sadd.s32 s6, s19;
	[tilespmem:v37+s20+$0x0] =	vst.idx.msk $0xffff, v1  }
0x101: {  	[hbm4b:s19+s3] =	stream.linear.scatter [tilespmem:s20], [sflag:$0x2], $0xC800, $0x38;
	[tilespmem:$0x1AD00] =	vst v63  }
0x102: {  	p0 =	seq.s32 s14, $0x20  }
.Ltmp2:
0x103: {  	_ = 	snop;
	(pc) =	sbr.rel @!p0 .LBB2_3-.Ltmp2, $1  }
0x104: {  	_ =	sdelay $0x3  }
0x105: {  	s13 =	sadd.s32 $0x1, s13  }
0x106: {  	_ =	swait.ge [sflag:s12], $0xC800;
	p0 =	sne.s32 s13, s8  }
.Ltmp3:
0x107: {  	[sflag:s12] =	ssyncset.done $0x0;
	(pc) =	sbr.rel @p0 .LBB2_1-.Ltmp3, $4  }
0x108: {  	[sflag:s12] =	ssyncadd.s32 $0xFFFF3800  }
0x109: {  	_ =	swait.ge [sflag:s12], $0xC800  }
0x10a: {  	[sflag:s12] =	ssyncset.done $0x0  }
0x10b: {  	[sflag:s12] =	ssyncadd.s32 $0xFFFF3800  }
0x10c: {  	_ =	sfence.sel $0x180000  }
0x10d: {  	[bflag:$0x0] =	sbarrier.arrive $0xFFFF  }
0x10e: {  	p0 =	sne.s32 s0, $0x0;
	_ =	strace $0x90000047  }
0x10f: {  	s0 =	sadd.s32 @!p0 $0x100000, s1;
	[bflag:$0x2] =	sbarrier.arrive $0xFFFF  }
0x110: {  	[sflag:s0] =	ssyncadd.tile.s32 @!p0 $0x1;
	_ =	shalt  }
.Lfunc_end2:
_tile_overlayer_lowered:
.L_overlay_start_2:
0x111: {  	(tag) =	ssettag $0x2  }
0x112: {  	s0 =	rddreg [dreg:$0x0];
	s2 =	stileid.u32  }
0x113: {  	s1 =	rddreg [dreg:$0x1];
	p0 =	sne.s32 s2, $0x0  }
0x114: {  	s3 =	rddreg [dreg:$0x2];
	[bflag:$0x3] =	sbarrier.arrive $0xFFFF;
	s2 =	simm.s32 @!p0 $0x1C03  }
0x115: {  	[timem:s3], [sflag:s2] =	dma.local @!p0 [hbm:s0], s1  }
0x116: {  	s0 =	simm.s32 @!p0 $0x3  }
0x117: {  	_ =	swait.ge @!p0 [sflag:s0], s1  }
0x118: {  	s1 =	ssub.s32 @!p0 $0x0, s1;
	[sflag:s0] =	ssyncset.done @!p0 $0x0  }
0x119: {  	[sflag:s0] =	ssyncadd.s32 @!p0 s1  }
0x11a: {  	[bflag:$0x3] =	sbarrier.arrive $0xFFFF  }
0x11b: {  	_ =	shalt  }

// kernel: sparse-core-data-format-call.cloned.1.call-start
scs
called_computation_lowered:
.L_overlay_start_0:
0x0: {  	s2 =	sld [smem:$0x3FD9]  }
0x1: {  	s3 =	sld [smem:$0x3FFE];
	_ =	sdelay $0x1  }
0x2: {  	s1 =	srdreg.scid  }
0x3: {  	s0 =	sand.u32 $0x1, s1  }
0x4: {  	s18 =	sshll.u32 s0, $0xA;
	s2 =	sadd.s32 s3, s2  }
0x5: {  	s2 =	sadd.s32 s2, s18  }
0x6: {  	[smem:$0x3FC4] =	sst s2  }
0x7: {  	_ = 	snop  }
0x8: {  	s2 =	sld [smem:$0x3FD0];
	(tm) =	ssettm $0x1  }
0x9: {  	s19 =	sld [smem:$0x3FFB];
	_ =	sdelay $0x3  }
0xa: {  	_ =	strace s19  }
0xb: {  	s3 =	sld [smem:$0x3FFC];
	_ =	sdelay $0x3  }
0xc: {  	_ =	strace s3  }
0xd: {  	s3 =	sld [smem:$0x3FFD];
	_ =	sdelay $0x3  }
0xe: {  	_ =	strace s3  }
0xf: {  	_ =	strace $0x8FFFFFFF  }
0x10: {  	s20 =	sld [smem:$0x3FDB];
	_ =	sdelay $0x1  }
0x11: {  	s4 =	simm.s32 $_scs_section_size  }
0x12: {  	s5 =	simm.s32 $_size__tile_overlayer_lowered;
	s6 =	simm.s32 $_tile_overlayer_lowered  }
0x13: {  	s23 =	simm.s32 $0x1BFF;
	s22 =	sshll.u32 s6, $0x1;
	s3 =	sadd.s32 s4, s20  }
0x14: {  	s7 =	simm.s32 $0x0;
	s21 =	sshll.u32 s5, $0x1;
	s5 =	sadd.s32 s22, s3  }
0x15: {  	[timem:s7], [sflag:s23] =	dma.local [hbm:s5], s21  }
0x16: {  	_ =	swait.ge [sflag:s23], s21  }
0x17: {  	s4 =	ssub.s32 $0x0, s21;
	[sflag:s23] =	ssyncset.done $0x0  }
0x18: {  	[sflag:s23] =	ssyncadd.s32 s4;
	_ =	sdelay $0x1  }
0x19: {  	s24 =	simm.s32 $0x1B8B  }
0x1a: {  	_ =	swait.ge [sflag:s24], $0x1  }
0x1b: {  	[sflag:s24] =	ssyncset.done $0x0  }
0x1c: {  	s26 =	simm.s32 $0x1B8E;
	s25 =	sld [smem:$0x3FFE];
	[sflag:s24] =	ssyncadd.s32 $0xFFFFFFFF  }
0x1d: {  	s27 =	simm.s32 $execute0_lowered;
	[smem:$0x3FD2] =	sst s26  }
0x1e: {  	s5 =	sshll.u32 s27, $0x1;
	_ =	strace $0x80000049;
	[dreg:$0x1] =	wrdreg $0xFFFFFFFF  }
0x1f: {  	s28 =	simm.s32 $_size_execute0_lowered;
	s3 =	sadd.s32 s3, s5;
	[dreg:$0x0] =	wrdreg $0x0  }
0x20: {  	s5 =	sshll.u32 s28, $0x1;
	[dreg:$0x2] =	wrdreg s3  }
0x21: {  	[dreg:$0x3] =	wrdreg s5  }
0x22: {  	[dreg:$0x4] =	wrdreg $0xC0  }
0x23: {  	_ =	task [dreg:s7], $0x5FFFF  }
0x24: {  	[dreg:$0x1] =	wrdreg $0xFFFFFFFF  }
0x25: {  	[dreg:$0x0] =	wrdreg $0x60  }
0x26: {  	[dreg:$0x2] =	wrdreg s25  }
0x27: {  	[dreg:$0x3] =	wrdreg s2  }
0x28: {  	[dreg:$0x4] =	wrdreg $0x9  }
0x29: {  	_ =	task.clear_ibuf [dreg:s7], $0x5FFFF;
	_ =	strace $0x90000049  }
0x2a: {  	s29 =	simm.s32 $0x9;
	_ =	strace $0x8000004B  }
0x2b: {  	_ =	swait.ge [sflag:s29], $0x1  }
0x2c: {  	[sflag:s29] =	ssyncadd.s32 $0xFFFFFFFF  }
0x2d: {  	_ =	strace $0x9000004B  }
0x2e: {  	_ =	sfence  }
0x2f: {  	s30 =	sld [smem:$0x0];
	_ =	sdelay $0x2  }
0x30: {  	s31 =	sshll.u32 s1, $0xD;
	s1 =	sshrl.u32 s1, $0x2  }
0x31: {  	s3 =	sand.u32 $0x4000, s31;
	s1 =	sadd.s32 s1, s30  }
0x32: {  	s0 =	sor.u32 s3, s0;
	s1 =	sshll.u32 s1, $0x11  }
0x33: {  	s0 =	sor.u32 s1, s0  }
0x34: {  	s0 =	sadd.s32 $0x8F2B, s0  }
0x35: {  	[sflag:s0] =	ssyncadd.remote.s32 $0x1  }
0x36: {  	_ =	sfence.sel $0xFFFF  }
0x37: {  	[dreg:$0x0] =	wrdreg $0xFFFFFFFF;
	(pc) =	sbr.abs _section_cstart, $3  }
0x38: {  	[dreg:$0x1] =	wrdreg $0xFFFFFFFF  }
0x39: {  	_ =	task.clear_ibuf [dreg:s7], $0x2FFFF;
	_ =	strace $0x9FFFFFFF  }
0x3a: {  	(tm) =	ssettm $0x7FFFFFFF  }
0x3b: {  	_ =	shalt  }
tec
execute0_lowered:
.L_overlay_start_1:
0x0: {  	(tag) =	ssettag $0x1  }
0x1: {  	s0 =	srdreg.scid  }
0x2: {  	s1 =	sshll.u32 s0, $0x4  }
0x3: {  	s0 =	stileid.u32;
	s1 =	sand.u32 $0x10, s1  }
0x4: {  	s1 =	sor.u32 s0, s1  }
0x5: {  	s6 =	rddreg [dreg:$0x0];
	s2 =	sshll.u32 s1, $0x7  }
0x6: {  	s3 =	rddreg [dreg:$0x1];
	s5 =	simm.s32 $0x1;
	s4 =	ssub.s32 $0x4000, s2  }
0x7: {  	s31 =	simm.s32 $0x2;
	s12 =	simm.s32 $0x0;
	s30 =	sand.u32 $0xF80, s4  }
0x8: {  	s11 =	simm.s32 $0x0;
	s8 =	simm.s32 $0x0;
	p0 =	sne.s32 s30, $0x0  }
.Ltmp0:
0x9: {  	s7 =	sshrl.u32 s4, $0xC;
	s5 =	simm.s32 @!p0 $0x0;
	(pc) =	sbr.rel .LBB1_1-.Ltmp0, $4  }
0xa: {  	s10 =	simm.s32 $0x0;
	s1 =	rddreg [dreg:$0x2];
	s5 =	sadd.s32 s5, s7  }
0xb: {  	_ =	strace $0x8000004A;
	s4 =	simm.s32 $0x1;
	s5 =	smul.u32 $0xC8, s5  }
0xc: {  	s6 =	sadd.s32 $0xE00, s6;
	s9 =	smov.u32 s2;
	[sflag:s4] =	ssyncpa.u1 $0x0  }
0xd: {  	[sflag:s31] =	ssyncpa.u1 $0x0;
	p0 =	por $0x0, $0x0;
	s7 =	sor.u32 $0x1, s5  }
.LBB1_4:
0xe: {  	s15 =	sshll.u32 s11, $0x3  }
0xf: {  	s16 =	sand.u32 $0x78, s11;
	s17 =	sand.u32 $0x3800, s11;
	s15 =	sand.u32 $0x3C00, s15  }
0x10: {  	s12 =	sshll.u32 s12, $0xE;
	s30 =	sadd.s32 s3, s17;
	s15 =	sor.u32 s16, s15  }
0x11: {  	s12 =	sadd.s32 s12, s30;
	s15 =	sshrl.u32 s15, $0x3  }
0x12: {  	[tilespmem:s14+$0x0 ss:$0x81] =	vst.msk $0xff, v1;
	s31 =	sand.u32 $0x7, s11;
	s12 =	sadd.s32 s15, s12  }
0x13: {  	[hbm4b:s12+s31] =	stream.linear.scatter [tilespmem:s13], [sflag:$0x2], $0x400, $0x20;
	[tilespmem:$0x1010] =	vst v63  }
.LBB1_5:
0x14: {  	s13 =	sadd.s32 $0x1, s8  }
0x15: {  	s11 =	sadd.s32 $0x1000, s9;
	s15 =	smov.u32 s9;
	p2 =	sgt.s32 s13, $0xC7  }
0x16: {  	s15 =	smov.u32 @p2 s11  }
0x17: {  	s13 =	simm.s32 @p2 $0x0;
	p2 =	sgt.s32 s15, $0x3FFF  }
0x18: {  	s15 =	smov.u32 @p2 s2;
	p2 =	sne.s32 s10, s7  }
.Ltmp1:
0x19: {  	p1 =	slt.u32 s10, $0x2;
	(pc) =	sbr.rel @!p2 .LBB1_6-.Ltmp1, $4  }
0x1a: {  	s14 =	simm.s32 @!p1 $0x2  }
0x1b: {  	s12 =	smov.u32 s8;
	p0 =	por !p0, !p0;
	_ =	swait.ge @!p1 [sflag:s14], $0x400  }
0x1c: {  	s11 =	smov.u32 s9;
	[sflag:s14] =	ssyncset.done @!p1 $0x0;
	s8 =	smov.u32 s13  }
0x1d: {  	s10 =	sadd.s32 $0x1, s10;
	[sflag:s14] =	ssyncadd.s32 @!p1 $0xFFFFFC00;
	s9 =	smov.u32 s15  }
.LBB1_1:
0x1e: {  	p1 =	sge.u32 s10, s5  }
0x1f: {  	s13 =	sand.u32 @!p1 $0x1FFFFFF, s8  }
0x20: {  	s14 =	smulhi.u32 @!p1 $0x147AE15, s13;
	_ =	sdelay $0x1  }
0x21: {  	s14 =	smul.u32 @!p1 $0xC8, s14  }
0x22: {  	s15 =	sxor.u32 @!p1 $0xFFFFFFFF, s10;
	s16 =	smul.u32 @!p1 $0xC80, s9  }
0x23: {  	s31 =	sadd.s32 $0xFFFFFFFF, s10;
	s15 =	sshll.u32 @!p1 s15, $0xA;
	s13 =	ssub.s32 @!p1 s13, s14  }
0x24: {  	s14 =	sand.u32 @!p1 $0x400, s15;
	s15 =	sadd.s32 @!p1 s6, s16;
	s13 =	sshll.u32 @!p1 s13, $0x4  }
0x25: {  	s16 =	simm.s32 @!p1 $0x6400;
	s13 =	sadd.s32 @!p1 s13, s15;
	s15 =	simm.s32 @!p1 $0x8  }
0x26: {  	[tilespmem:s14], [sflag:$0x1] =	stream.strided.gather @!p1 [hbm4b:s13+s15], $0x400, s16, s15, $0x38;
	[tilespmem:$0x1010] =	vst v63  }
0x27: {  	p1 =	sge.u32 s31, s5  }
.Ltmp2:
0x28: {  	_ = 	snop;
	(pc) =	sbr.rel @p1 .LBB1_5-.Ltmp2, $1  }
0x29: {  	_ =	sdelay $0x3  }
0x2a: {  	s13 =	simm.s32 $0x1  }
0x2b: {  	s13 =	simm.s32 @!p0 $0x0  }
0x2c: {  	s14 =	sshll.u32 s13, $0xA  }
0x2d: {  	v0 =	vmov s14;
	_ =	sdelay $0x1  }
0x2e: {  	_ =	swait.ge [sflag:s4], $0x400  }
0x2f: {  	s31 =	sand.u32 $0x1, s10;
	[sflag:s4] =	ssyncset.done $0x0  }
0x30: {  	s16 =	simm.s32 $0x0;
	s13 =	smul.u32 $0x1020, s13;
	[sflag:s4] =	ssyncadd.s32 $0xFFFFFC00  }
0x31: {  	s14 =	smul.u32 $0x1020, s31;
	v1 =	vld.idx.msk [tilespmem:v0+s16+$0x0 ss:$0x1], $0xff;
	_ =	sdelay $0x1  }
0x32: {  	s13 =	sshrl.u32 s13, $0x2;
	s15 =	sshrl.u32 s14, $0x2  }
0x33: {  	s14 =	sor.u32 $0x800, s13;
	s13 =	sor.u32 $0x800, s15;
	s15 =	simm.s32 $0x20  }
.LBB1_3:
0x34: {  	s16 =	sshra.s32 s15, $0x2;
	p1 =	sne.s32 s15, $0xFE0;
	s15 =	sadd.s32 $0x20, s15  }
.Ltmp3:
0x35: {  	[tilespmem:s14+$0x0 ss:$0x81] =	vst.msk $0xff, v1;
	v1 =	vld.idx.msk [tilespmem:v0+s16+$0x0 ss:$0x1], $0xff;
	(pc) =	sbr.rel @p1 .LBB1_3-.Ltmp3, $2  }
0x36: {  	_ =	sdelay $0x2  }
0x37: {  	s14 =	sadd.s32 $0x1, s14  }
.Ltmp4:
0x38: {  	_ = 	snop;
	(pc) =	sbr.rel .LBB1_4-.Ltmp4, $1  }
0x39: {  	_ =	sdelay $0x3  }
.LBB1_6:
0x3a: {  	_ =	sfence.sel $0x180000  }
0x3b: {  	s2 =	simm.s32 $0x1;
	[bflag:$0x0] =	sbarrier.arrive $0xFFFF  }
0x3c: {  	s31 =	simm.s32 $0x2;
	[sflag:s2] =	ssyncpa.u1 $0x1  }
0x3d: {  	[sflag:s31] =	ssyncpa.u1 $0x1  }
0x3e: {  	p0 =	sne.s32 s0, $0x0;
	_ =	strace $0x9000004A  }
0x3f: {  	s0 =	sadd.s32 @!p0 $0x100000, s1;
	[bflag:$0x2] =	sbarrier.arrive $0xFFFF  }
0x40: {  	[sflag:s0] =	ssyncadd.tile.s32 @!p0 $0x1;
	_ =	shalt  }
.Lfunc_end1:
_tile_overlayer_lowered:
.L_overlay_start_2:
0x41: {  	(tag) =	ssettag $0x2  }
0x42: {  	s0 =	rddreg [dreg:$0x0];
	s2 =	stileid.u32  }
0x43: {  	s1 =	rddreg [dreg:$0x1];
	p0 =	sne.s32 s2, $0x0  }
0x44: {  	s3 =	rddreg [dreg:$0x2];
	[bflag:$0x3] =	sbarrier.arrive $0xFFFF;
	s2 =	simm.s32 @!p0 $0x1C01  }
0x45: {  	[timem:s3], [sflag:s2] =	dma.local @!p0 [hbm:s0], s1  }
0x46: {  	s0 =	simm.s32 @!p0 $0x1  }
0x47: {  	_ =	swait.ge @!p0 [sflag:s0], s1  }
0x48: {  	s1 =	ssub.s32 @!p0 $0x0, s1;
	[sflag:s0] =	ssyncset.done @!p0 $0x0  }
0x49: {  	[sflag:s0] =	ssyncadd.s32 @!p0 s1  }
0x4a: {  	[bflag:$0x3] =	sbarrier.arrive $0xFFFF  }
0x4b: {  	_ =	shalt  }

</sc_bundles>
